<compile_context>
chip_gen: v7x
topology: tpu7x:2x2x1
jax: 0.10.2.dev20260603
libtpu: 0.0.44.dev20260713+nightly
codegen_flags: <defaults>
</compile_context>

<pallas_src>
import functools

import jax
import jax.numpy as jnp
from jax import lax
from jax.experimental import pallas as pl
from jax.experimental.pallas import tpu as pltpu
from jax.experimental.pallas import tpu_sc as plsc

N_STATES = 32 * 32 * 32 * 32
N_ACTIONS = 16
BATCH = 16384

NC = 2
NS = 16
L = 16
NW = NC * NS
B_PER_W = BATCH // NW
E_PER_W = B_PER_W * N_ACTIONS

_ACTION_OFF = [(a >> 3) * (8 * N_STATES) + (a & 7) * 128
               for a in range(N_ACTIONS)]
_SPAN = N_ACTIONS * N_STATES - max(_ACTION_OFF)

_mesh = plsc.VectorSubcoreMesh(core_axis_name="c", subcore_axis_name="s")


@functools.partial(
    pl.kernel,
    out_type=jax.ShapeDtypeStruct((N_ACTIONS, BATCH), jnp.float32),
    mesh=_mesh,
    scratch_types=[
        pltpu.VMEM((B_PER_W,), jnp.int32),
        pltpu.VMEM((E_PER_W,), jnp.float32),
        pltpu.SemaphoreType.DMA,
        pltpu.SemaphoreType.DMA,
    ],
)
def _qlookup(w_hbm, obs_hbm, out_hbm, sidx_v, rows_v, sem_lo, sem_hi):
    wid = lax.axis_index("s") * NC + lax.axis_index("c")
    base = wid * B_PER_W
    pltpu.sync_copy(obs_hbm.at[pl.ds(base, B_PER_W)], sidx_v)

    def build(j, carry):
        o = sidx_v[pl.ds(j * L, L)]
        sidx_v[pl.ds(j * L, L)] = ((o >> 7) << 10) + (o & 127)
        return carry

    lax.fori_loop(0, B_PER_W // L, build, 0)

    half = N_ACTIONS // 2
    copies = [
        pltpu.async_copy(
            w_hbm.at[pl.ds(_ACTION_OFF[a], _SPAN)].at[sidx_v],
            rows_v.at[pl.ds(a * B_PER_W, B_PER_W)],
            sem_lo if a < half else sem_hi)
        for a in range(N_ACTIONS)
    ]
    for c in copies[:half]:
        c.wait()
    for a in range(half):
        pltpu.sync_copy(rows_v.at[pl.ds(a * B_PER_W, B_PER_W)],
                        out_hbm.at[a, pl.ds(base, B_PER_W)])
    for c in copies[half:]:
        c.wait()
    for a in range(half, N_ACTIONS):
        pltpu.sync_copy(rows_v.at[pl.ds(a * B_PER_W, B_PER_W)],
                        out_hbm.at[a, pl.ds(base, B_PER_W)])


def kernel(v_obs, W):
    w_flat = (W.reshape(2, 8, 8192, 128)
               .transpose(0, 2, 1, 3)
               .reshape(N_ACTIONS * N_STATES))
    out = _qlookup(w_flat, v_obs.astype(jnp.int32))
    return out.T

# --- scband reference (transcript-rebuilt; emitter-appended) ---
"""Pipeline reference for scband-dqn-tiled-tab-73907797230128 (READ-ONLY COPY).

The authoritative reference and input builder live on the scoring server;
editing this copy changes nothing except your own understanding.
"""

import jax, jax.numpy as jnp
import numpy as np

N_STATES = 32 * 32 * 32 * 32  # prod(ob_grid_shape) = 1048576
N_ACTIONS = 16
BATCH = 16384
INITIAL_Q = 1.0


def setup_inputs(seed: int = 0) -> dict:
    key = jax.random.key(seed)
    k_idx, _ = jax.random.split(key)
    # v_obs: already-tiled discrete observation indices in [0, N_STATES)
    v_obs = jax.random.randint(k_idx, (BATCH,), 0, N_STATES, dtype=jnp.int64 if jax.config.read('jax_enable_x64') else jnp.int32)
    # q_values = nn.Linear(n_states, n_actions, bias=None); weight shape [n_actions, n_states]
    # initialized to constant initial_q per nn.init.constant(self.q_values.weight, initial_q)
    W = jnp.full((N_ACTIONS, N_STATES), INITIAL_Q, dtype=jnp.float32)
    return {"v_obs": v_obs, "W": W}


def reference(v_obs, W):
    # Original forward: one_hot(v_obs, N_STATES) @ W.T  -> [B, n_actions]
    # Mathematically identical to gathering columns of W (embedding lookup):
    # one-hot row b has a single 1 at v_obs[b], so (oh @ W.T)[b] = W[:, v_obs[b]].
    q = jnp.take(W.T, v_obs, axis=0)  # [B, n_actions]
    return q

if __name__ == "__main__":
    import jax
    _d = setup_inputs()
    print(jax.jit(kernel)(*tuple(_d.values())))

</pallas_src>

<mosaic_0001>
#map = affine_map<(d0, d1) -> (0)>
#map1 = affine_map<(d0, d1) -> (0, 0)>
module attributes {stable_mosaic.version = 14 : i64} {
  func.func @_qlookup(%arg0: i32, %arg1: i32, %arg2: memref<16777216xf32, #tpu.memory_space<hbm>>, %arg3: memref<16384xi32, #tpu.memory_space<hbm>>, %arg4: memref<16x16384xf32, #tpu.memory_space<hbm>>, %arg5: memref<512xi32, #tpu.memory_space<vmem>>, %arg6: memref<8192xf32, #tpu.memory_space<vmem>>, %arg7: memref<!tpu.dma_semaphore, #tpu.memory_space<semaphore_mem>>, %arg8: memref<!tpu.dma_semaphore, #tpu.memory_space<semaphore_mem>>) attributes {dimension_semantics = [#tpu.dimension_semantics<core_parallel>, #tpu.dimension_semantics<subcore_parallel>], iteration_bounds = array<i64: 2, 16>, scalar_prefetch = 0 : i64, scratch_operands = 4 : i64, tpu.core_type = #tpu.core_type<sc_vector_subcore>, window_params = [{transform_indices = #map}, {transform_indices = #map}, {transform_indices = #map1}]} {
    %mul3A = arith.constant 2 : i32
    %mul3A_0 = arith.muli %arg1, %mul3A : i32
    %add3A = arith.addi %mul3A_0, %arg0 : i32
    %mul3A_1 = arith.constant 512 : i32
    %mul3A_2 = arith.muli %add3A, %mul3A_1 : i32
    "tpu.region"() ({
      %run_scoped3A_213 = tpu.sem_alloc : memref<!tpu.dma_semaphore, #tpu.memory_space<semaphore_mem>>
      %dma_start3A_214 = tpu.memref_slice %arg3[%mul3A_2] : memref<16384xi32, #tpu.memory_space<hbm>> -> memref<512xi32, #tpu.memory_space<hbm>>
      %dma_start3A_215 = tpu.memref_slice %arg3[%mul3A_2] : memref<16384xi32, #tpu.memory_space<hbm>> -> memref<512xi32, #tpu.memory_space<hbm>>
      tpu.enqueue_dma source(%dma_start3A_215 : memref<512xi32, #tpu.memory_space<hbm>>) target(%arg5 : memref<512xi32, #tpu.memory_space<vmem>>) target_semaphore(%run_scoped3A_213 : memref<!tpu.dma_semaphore, #tpu.memory_space<semaphore_mem>>)
      %dma_wait3A_216 = tpu.memref_slice %arg3[%mul3A_2] : memref<16384xi32, #tpu.memory_space<hbm>> -> memref<512xi32, #tpu.memory_space<hbm>>
      %dma_wait3A_217 = tpu.memref_slice %arg3[%mul3A_2] : memref<16384xi32, #tpu.memory_space<hbm>> -> memref<512xi32, #tpu.memory_space<hbm>>
      tpu.wait_dma2 semaphore(%run_scoped3A_213 : memref<!tpu.dma_semaphore, #tpu.memory_space<semaphore_mem>>) src(%dma_wait3A_217 : memref<512xi32, #tpu.memory_space<hbm>>) dst(%arg5 : memref<512xi32, #tpu.memory_space<vmem>>)
      tpu.yield
    }) : () -> ()
    %scan3A = arith.constant 0 : i32
    %scan3A_3 = arith.constant 0 : i32
    %scan3A_4 = arith.constant 32 : i32
    %scan3A_5 = arith.addi %scan3A_3, %scan3A_4 : i32
    %scan3A_6 = arith.constant 1 : i32
    scf.for %scan3A_213 = %scan3A_3 to %scan3A_5 step %scan3A_6  : i32 {
      %mul3A_214 = arith.constant 16 : i32
      %mul3A_215 = arith.muli %scan3A_213, %mul3A_214 : i32
      %get3A = arith.index_cast %mul3A_215 : i32 to index
      %get3A_216 = tpu.vector_load %arg5[%get3A] {strides = array<i32>} : memref<512xi32, #tpu.memory_space<vmem>>, vector<16xi32>,
      %get3A_217 = vector.shape_cast %get3A_216 : vector<16xi32> to vector<16xi32>
      %shift_right_arithmetic3A = arith.constant 7 : i32
      %shift_right_arithmetic3A_218 = vector.broadcast %shift_right_arithmetic3A : i32 to vector<16xi32>
      %shift_right_arithmetic3A_219 = arith.shrsi %get3A_217, %shift_right_arithmetic3A_218 : vector<16xi32>
      %shift_left3A = arith.constant 10 : i32
      %shift_left3A_220 = vector.broadcast %shift_left3A : i32 to vector<16xi32>
      %shift_left3A_221 = arith.shli %shift_right_arithmetic3A_219, %shift_left3A_220 : vector<16xi32>
      %and3A = arith.constant 127 : i32
      %and3A_222 = vector.broadcast %and3A : i32 to vector<16xi32>
      %and3A_223 = arith.andi %get3A_217, %and3A_222 : vector<16xi32>
      %add3A_224 = arith.addi %shift_left3A_221, %and3A_223 : vector<16xi32>
      %mul3A_225 = arith.constant 16 : i32
      %mul3A_226 = arith.muli %scan3A_213, %mul3A_225 : i32
      %swap3A = arith.index_cast %mul3A_226 : i32 to index
      %swap3A_227 = tpu.vector_load %arg5[%swap3A] {strides = array<i32>} : memref<512xi32, #tpu.memory_space<vmem>>, vector<16xi32>,
      %swap3A_228 = vector.shape_cast %swap3A_227 : vector<16xi32> to vector<16xi32>
      %swap3A_229 = vector.shape_cast %add3A_224 : vector<16xi32> to vector<16xi32>
      tpu.vector_store %arg5[%swap3A], %swap3A_229 {strides = array<i32>} : memref<512xi32, #tpu.memory_space<vmem>>, vector<16xi32>,
    }
    %scan3A_7 = arith.constant 32 : i32
    %dma_start3A = arith.constant 0 : i32
    %dma_start3A_8 = tpu.memref_slice %arg6[%dma_start3A] : memref<8192xf32, #tpu.memory_space<vmem>> -> memref<512xf32, #tpu.memory_space<vmem>>
    %dma_start3A_9 = arith.constant 0 : i32
    %dma_start3A_10 = tpu.memref_slice %arg2[%dma_start3A_9] : memref<16777216xf32, #tpu.memory_space<hbm>> -> memref<8387712xf32, #tpu.memory_space<hbm>>
    %dma_start3A_11 = arith.constant 0 : i32
    %dma_start3A_12 = tpu.memref_slice %dma_start3A_10[%dma_start3A_11] : memref<8387712xf32, #tpu.memory_space<hbm>> -> memref<8387712xf32, #tpu.memory_space<hbm>>
    tpu.enqueue_indirect_dma source(%dma_start3A_12 : memref<8387712xf32, #tpu.memory_space<hbm>>) target(%dma_start3A_8 : memref<512xf32, #tpu.memory_space<vmem>>) offsets(%arg5 : memref<512xi32, #tpu.memory_space<vmem>>) semaphore(%arg7 : memref<!tpu.dma_semaphore, #tpu.memory_space<semaphore_mem>>)
    %dma_start3A_13 = arith.constant 512 : i32
    %dma_start3A_14 = tpu.memref_slice %arg6[%dma_start3A_13] : memref<8192xf32, #tpu.memory_space<vmem>> -> memref<512xf32, #tpu.memory_space<vmem>>
    %dma_start3A_15 = arith.constant 128 : i32
    %dma_start3A_16 = tpu.memref_slice %arg2[%dma_start3A_15] : memref<16777216xf32, #tpu.memory_space<hbm>> -> memref<8387712xf32, #tpu.memory_space<hbm>>
    %dma_start3A_17 = arith.constant 0 : i32
    %dma_start3A_18 = tpu.memref_slice %dma_start3A_16[%dma_start3A_17] : memref<8387712xf32, #tpu.memory_space<hbm>> -> memref<8387712xf32, #tpu.memory_space<hbm>>
    tpu.enqueue_indirect_dma source(%dma_start3A_18 : memref<8387712xf32, #tpu.memory_space<hbm>>) target(%dma_start3A_14 : memref<512xf32, #tpu.memory_space<vmem>>) offsets(%arg5 : memref<512xi32, #tpu.memory_space<vmem>>) semaphore(%arg7 : memref<!tpu.dma_semaphore, #tpu.memory_space<semaphore_mem>>)
    %dma_start3A_19 = arith.constant 1024 : i32
    %dma_start3A_20 = tpu.memref_slice %arg6[%dma_start3A_19] : memref<8192xf32, #tpu.memory_space<vmem>> -> memref<512xf32, #tpu.memory_space<vmem>>
    %dma_start3A_21 = arith.constant 256 : i32
    %dma_start3A_22 = tpu.memref_slice %arg2[%dma_start3A_21] : memref<16777216xf32, #tpu.memory_space<hbm>> -> memref<8387712xf32, #tpu.memory_space<hbm>>
    %dma_start3A_23 = arith.constant 0 : i32
    %dma_start3A_24 = tpu.memref_slice %dma_start3A_22[%dma_start3A_23] : memref<8387712xf32, #tpu.memory_space<hbm>> -> memref<8387712xf32, #tpu.memory_space<hbm>>
    tpu.enqueue_indirect_dma source(%dma_start3A_24 : memref<8387712xf32, #tpu.memory_space<hbm>>) target(%dma_start3A_20 : memref<512xf32, #tpu.memory_space<vmem>>) offsets(%arg5 : memref<512xi32, #tpu.memory_space<vmem>>) semaphore(%arg7 : memref<!tpu.dma_semaphore, #tpu.memory_space<semaphore_mem>>)
    %dma_start3A_25 = arith.constant 1536 : i32
    %dma_start3A_26 = tpu.memref_slice %arg6[%dma_start3A_25] : memref<8192xf32, #tpu.memory_space<vmem>> -> memref<512xf32, #tpu.memory_space<vmem>>
    %dma_start3A_27 = arith.constant 384 : i32
    %dma_start3A_28 = tpu.memref_slice %arg2[%dma_start3A_27] : memref<16777216xf32, #tpu.memory_space<hbm>> -> memref<8387712xf32, #tpu.memory_space<hbm>>
    %dma_start3A_29 = arith.constant 0 : i32
    %dma_start3A_30 = tpu.memref_slice %dma_start3A_28[%dma_start3A_29] : memref<8387712xf32, #tpu.memory_space<hbm>> -> memref<8387712xf32, #tpu.memory_space<hbm>>
    tpu.enqueue_indirect_dma source(%dma_start3A_30 : memref<8387712xf32, #tpu.memory_space<hbm>>) target(%dma_start3A_26 : memref<512xf32, #tpu.memory_space<vmem>>) offsets(%arg5 : memref<512xi32, #tpu.memory_space<vmem>>) semaphore(%arg7 : memref<!tpu.dma_semaphore, #tpu.memory_space<semaphore_mem>>)
    %dma_start3A_31 = arith.constant 2048 : i32
    %dma_start3A_32 = tpu.memref_slice %arg6[%dma_start3A_31] : memref<8192xf32, #tpu.memory_space<vmem>> -> memref<512xf32, #tpu.memory_space<vmem>>
    %dma_start3A_33 = arith.constant 512 : i32
    %dma_start3A_34 = tpu.memref_slice %arg2[%dma_start3A_33] : memref<16777216xf32, #tpu.memory_space<hbm>> -> memref<8387712xf32, #tpu.memory_space<hbm>>
    %dma_start3A_35 = arith.constant 0 : i32
    %dma_start3A_36 = tpu.memref_slice %dma_start3A_34[%dma_start3A_35] : memref<8387712xf32, #tpu.memory_space<hbm>> -> memref<8387712xf32, #tpu.memory_space<hbm>>
    tpu.enqueue_indirect_dma source(%dma_start3A_36 : memref<8387712xf32, #tpu.memory_space<hbm>>) target(%dma_start3A_32 : memref<512xf32, #tpu.memory_space<vmem>>) offsets(%arg5 : memref<512xi32, #tpu.memory_space<vmem>>) semaphore(%arg7 : memref<!tpu.dma_semaphore, #tpu.memory_space<semaphore_mem>>)
    %dma_start3A_37 = arith.constant 2560 : i32
    %dma_start3A_38 = tpu.memref_slice %arg6[%dma_start3A_37] : memref<8192xf32, #tpu.memory_space<vmem>> -> memref<512xf32, #tpu.memory_space<vmem>>
    %dma_start3A_39 = arith.constant 640 : i32
    %dma_start3A_40 = tpu.memref_slice %arg2[%dma_start3A_39] : memref<16777216xf32, #tpu.memory_space<hbm>> -> memref<8387712xf32, #tpu.memory_space<hbm>>
    %dma_start3A_41 = arith.constant 0 : i32
    %dma_start3A_42 = tpu.memref_slice %dma_start3A_40[%dma_start3A_41] : memref<8387712xf32, #tpu.memory_space<hbm>> -> memref<8387712xf32, #tpu.memory_space<hbm>>
    tpu.enqueue_indirect_dma source(%dma_start3A_42 : memref<8387712xf32, #tpu.memory_space<hbm>>) target(%dma_start3A_38 : memref<512xf32, #tpu.memory_space<vmem>>) offsets(%arg5 : memref<512xi32, #tpu.memory_space<vmem>>) semaphore(%arg7 : memref<!tpu.dma_semaphore, #tpu.memory_space<semaphore_mem>>)
    %dma_start3A_43 = arith.constant 3072 : i32
    %dma_start3A_44 = tpu.memref_slice %arg6[%dma_start3A_43] : memref<8192xf32, #tpu.memory_space<vmem>> -> memref<512xf32, #tpu.memory_space<vmem>>
    %dma_start3A_45 = arith.constant 768 : i32
    %dma_start3A_46 = tpu.memref_slice %arg2[%dma_start3A_45] : memref<16777216xf32, #tpu.memory_space<hbm>> -> memref<8387712xf32, #tpu.memory_space<hbm>>
    %dma_start3A_47 = arith.constant 0 : i32
    %dma_start3A_48 = tpu.memref_slice %dma_start3A_46[%dma_start3A_47] : memref<8387712xf32, #tpu.memory_space<hbm>> -> memref<8387712xf32, #tpu.memory_space<hbm>>
    tpu.enqueue_indirect_dma source(%dma_start3A_48 : memref<8387712xf32, #tpu.memory_space<hbm>>) target(%dma_start3A_44 : memref<512xf32, #tpu.memory_space<vmem>>) offsets(%arg5 : memref<512xi32, #tpu.memory_space<vmem>>) semaphore(%arg7 : memref<!tpu.dma_semaphore, #tpu.memory_space<semaphore_mem>>)
    %dma_start3A_49 = arith.constant 3584 : i32
    %dma_start3A_50 = tpu.memref_slice %arg6[%dma_start3A_49] : memref<8192xf32, #tpu.memory_space<vmem>> -> memref<512xf32, #tpu.memory_space<vmem>>
    %dma_start3A_51 = arith.constant 896 : i32
    %dma_start3A_52 = tpu.memref_slice %arg2[%dma_start3A_51] : memref<16777216xf32, #tpu.memory_space<hbm>> -> memref<8387712xf32, #tpu.memory_space<hbm>>
    %dma_start3A_53 = arith.constant 0 : i32
    %dma_start3A_54 = tpu.memref_slice %dma_start3A_52[%dma_start3A_53] : memref<8387712xf32, #tpu.memory_space<hbm>> -> memref<8387712xf32, #tpu.memory_space<hbm>>
    tpu.enqueue_indirect_dma source(%dma_start3A_54 : memref<8387712xf32, #tpu.memory_space<hbm>>) target(%dma_start3A_50 : memref<512xf32, #tpu.memory_space<vmem>>) offsets(%arg5 : memref<512xi32, #tpu.memory_space<vmem>>) semaphore(%arg7 : memref<!tpu.dma_semaphore, #tpu.memory_space<semaphore_mem>>)
    %dma_start3A_55 = arith.constant 4096 : i32
    %dma_start3A_56 = tpu.memref_slice %arg6[%dma_start3A_55] : memref<8192xf32, #tpu.memory_space<vmem>> -> memref<512xf32, #tpu.memory_space<vmem>>
    %dma_start3A_57 = arith.constant 8388608 : i32
    %dma_start3A_58 = tpu.memref_slice %arg2[%dma_start3A_57] : memref<16777216xf32, #tpu.memory_space<hbm>> -> memref<8387712xf32, #tpu.memory_space<hbm>>
    %dma_start3A_59 = arith.constant 0 : i32
    %dma_start3A_60 = tpu.memref_slice %dma_start3A_58[%dma_start3A_59] : memref<8387712xf32, #tpu.memory_space<hbm>> -> memref<8387712xf32, #tpu.memory_space<hbm>>
    tpu.enqueue_indirect_dma source(%dma_start3A_60 : memref<8387712xf32, #tpu.memory_space<hbm>>) target(%dma_start3A_56 : memref<512xf32, #tpu.memory_space<vmem>>) offsets(%arg5 : memref<512xi32, #tpu.memory_space<vmem>>) semaphore(%arg8 : memref<!tpu.dma_semaphore, #tpu.memory_space<semaphore_mem>>)
    %dma_start3A_61 = arith.constant 4608 : i32
    %dma_start3A_62 = tpu.memref_slice %arg6[%dma_start3A_61] : memref<8192xf32, #tpu.memory_space<vmem>> -> memref<512xf32, #tpu.memory_space<vmem>>
    %dma_start3A_63 = arith.constant 8388736 : i32
    %dma_start3A_64 = tpu.memref_slice %arg2[%dma_start3A_63] : memref<16777216xf32, #tpu.memory_space<hbm>> -> memref<8387712xf32, #tpu.memory_space<hbm>>
    %dma_start3A_65 = arith.constant 0 : i32
    %dma_start3A_66 = tpu.memref_slice %dma_start3A_64[%dma_start3A_65] : memref<8387712xf32, #tpu.memory_space<hbm>> -> memref<8387712xf32, #tpu.memory_space<hbm>>
    tpu.enqueue_indirect_dma source(%dma_start3A_66 : memref<8387712xf32, #tpu.memory_space<hbm>>) target(%dma_start3A_62 : memref<512xf32, #tpu.memory_space<vmem>>) offsets(%arg5 : memref<512xi32, #tpu.memory_space<vmem>>) semaphore(%arg8 : memref<!tpu.dma_semaphore, #tpu.memory_space<semaphore_mem>>)
    %dma_start3A_67 = arith.constant 5120 : i32
    %dma_start3A_68 = tpu.memref_slice %arg6[%dma_start3A_67] : memref<8192xf32, #tpu.memory_space<vmem>> -> memref<512xf32, #tpu.memory_space<vmem>>
    %dma_start3A_69 = arith.constant 8388864 : i32
    %dma_start3A_70 = tpu.memref_slice %arg2[%dma_start3A_69] : memref<16777216xf32, #tpu.memory_space<hbm>> -> memref<8387712xf32, #tpu.memory_space<hbm>>
    %dma_start3A_71 = arith.constant 0 : i32
    %dma_start3A_72 = tpu.memref_slice %dma_start3A_70[%dma_start3A_71] : memref<8387712xf32, #tpu.memory_space<hbm>> -> memref<8387712xf32, #tpu.memory_space<hbm>>
    tpu.enqueue_indirect_dma source(%dma_start3A_72 : memref<8387712xf32, #tpu.memory_space<hbm>>) target(%dma_start3A_68 : memref<512xf32, #tpu.memory_space<vmem>>) offsets(%arg5 : memref<512xi32, #tpu.memory_space<vmem>>) semaphore(%arg8 : memref<!tpu.dma_semaphore, #tpu.memory_space<semaphore_mem>>)
    %dma_start3A_73 = arith.constant 5632 : i32
    %dma_start3A_74 = tpu.memref_slice %arg6[%dma_start3A_73] : memref<8192xf32, #tpu.memory_space<vmem>> -> memref<512xf32, #tpu.memory_space<vmem>>
    %dma_start3A_75 = arith.constant 8388992 : i32
    %dma_start3A_76 = tpu.memref_slice %arg2[%dma_start3A_75] : memref<16777216xf32, #tpu.memory_space<hbm>> -> memref<8387712xf32, #tpu.memory_space<hbm>>
    %dma_start3A_77 = arith.constant 0 : i32
    %dma_start3A_78 = tpu.memref_slice %dma_start3A_76[%dma_start3A_77] : memref<8387712xf32, #tpu.memory_space<hbm>> -> memref<8387712xf32, #tpu.memory_space<hbm>>
    tpu.enqueue_indirect_dma source(%dma_start3A_78 : memref<8387712xf32, #tpu.memory_space<hbm>>) target(%dma_start3A_74 : memref<512xf32, #tpu.memory_space<vmem>>) offsets(%arg5 : memref<512xi32, #tpu.memory_space<vmem>>) semaphore(%arg8 : memref<!tpu.dma_semaphore, #tpu.memory_space<semaphore_mem>>)
    %dma_start3A_79 = arith.constant 6144 : i32
    %dma_start3A_80 = tpu.memref_slice %arg6[%dma_start3A_79] : memref<8192xf32, #tpu.memory_space<vmem>> -> memref<512xf32, #tpu.memory_space<vmem>>
    %dma_start3A_81 = arith.constant 8389120 : i32
    %dma_start3A_82 = tpu.memref_slice %arg2[%dma_start3A_81] : memref<16777216xf32, #tpu.memory_space<hbm>> -> memref<8387712xf32, #tpu.memory_space<hbm>>
    %dma_start3A_83 = arith.constant 0 : i32
    %dma_start3A_84 = tpu.memref_slice %dma_start3A_82[%dma_start3A_83] : memref<8387712xf32, #tpu.memory_space<hbm>> -> memref<8387712xf32, #tpu.memory_space<hbm>>
    tpu.enqueue_indirect_dma source(%dma_start3A_84 : memref<8387712xf32, #tpu.memory_space<hbm>>) target(%dma_start3A_80 : memref<512xf32, #tpu.memory_space<vmem>>) offsets(%arg5 : memref<512xi32, #tpu.memory_space<vmem>>) semaphore(%arg8 : memref<!tpu.dma_semaphore, #tpu.memory_space<semaphore_mem>>)
    %dma_start3A_85 = arith.constant 6656 : i32
    %dma_start3A_86 = tpu.memref_slice %arg6[%dma_start3A_85] : memref<8192xf32, #tpu.memory_space<vmem>> -> memref<512xf32, #tpu.memory_space<vmem>>
    %dma_start3A_87 = arith.constant 8389248 : i32
    %dma_start3A_88 = tpu.memref_slice %arg2[%dma_start3A_87] : memref<16777216xf32, #tpu.memory_space<hbm>> -> memref<8387712xf32, #tpu.memory_space<hbm>>
    %dma_start3A_89 = arith.constant 0 : i32
    %dma_start3A_90 = tpu.memref_slice %dma_start3A_88[%dma_start3A_89] : memref<8387712xf32, #tpu.memory_space<hbm>> -> memref<8387712xf32, #tpu.memory_space<hbm>>
    tpu.enqueue_indirect_dma source(%dma_start3A_90 : memref<8387712xf32, #tpu.memory_space<hbm>>) target(%dma_start3A_86 : memref<512xf32, #tpu.memory_space<vmem>>) offsets(%arg5 : memref<512xi32, #tpu.memory_space<vmem>>) semaphore(%arg8 : memref<!tpu.dma_semaphore, #tpu.memory_space<semaphore_mem>>)
    %dma_start3A_91 = arith.constant 7168 : i32
    %dma_start3A_92 = tpu.memref_slice %arg6[%dma_start3A_91] : memref<8192xf32, #tpu.memory_space<vmem>> -> memref<512xf32, #tpu.memory_space<vmem>>
    %dma_start3A_93 = arith.constant 8389376 : i32
    %dma_start3A_94 = tpu.memref_slice %arg2[%dma_start3A_93] : memref<16777216xf32, #tpu.memory_space<hbm>> -> memref<8387712xf32, #tpu.memory_space<hbm>>
    %dma_start3A_95 = arith.constant 0 : i32
    %dma_start3A_96 = tpu.memref_slice %dma_start3A_94[%dma_start3A_95] : memref<8387712xf32, #tpu.memory_space<hbm>> -> memref<8387712xf32, #tpu.memory_space<hbm>>
    tpu.enqueue_indirect_dma source(%dma_start3A_96 : memref<8387712xf32, #tpu.memory_space<hbm>>) target(%dma_start3A_92 : memref<512xf32, #tpu.memory_space<vmem>>) offsets(%arg5 : memref<512xi32, #tpu.memory_space<vmem>>) semaphore(%arg8 : memref<!tpu.dma_semaphore, #tpu.memory_space<semaphore_mem>>)
    %dma_start3A_97 = arith.constant 7680 : i32
    %dma_start3A_98 = tpu.memref_slice %arg6[%dma_start3A_97] : memref<8192xf32, #tpu.memory_space<vmem>> -> memref<512xf32, #tpu.memory_space<vmem>>
    %dma_start3A_99 = arith.constant 8389504 : i32
    %dma_start3A_100 = tpu.memref_slice %arg2[%dma_start3A_99] : memref<16777216xf32, #tpu.memory_space<hbm>> -> memref<8387712xf32, #tpu.memory_space<hbm>>
    %dma_start3A_101 = arith.constant 0 : i32
    %dma_start3A_102 = tpu.memref_slice %dma_start3A_100[%dma_start3A_101] : memref<8387712xf32, #tpu.memory_space<hbm>> -> memref<8387712xf32, #tpu.memory_space<hbm>>
    tpu.enqueue_indirect_dma source(%dma_start3A_102 : memref<8387712xf32, #tpu.memory_space<hbm>>) target(%dma_start3A_98 : memref<512xf32, #tpu.memory_space<vmem>>) offsets(%arg5 : memref<512xi32, #tpu.memory_space<vmem>>) semaphore(%arg8 : memref<!tpu.dma_semaphore, #tpu.memory_space<semaphore_mem>>)
    %dma_wait3A = arith.constant 0 : i32
    %dma_wait3A_103 = tpu.memref_slice %arg6[%dma_wait3A] : memref<8192xf32, #tpu.memory_space<vmem>> -> memref<512xf32, #tpu.memory_space<vmem>>
    %dma_wait3A_104 = arith.constant 0 : i32
    %dma_wait3A_105 = tpu.memref_slice %arg2[%dma_wait3A_104] : memref<16777216xf32, #tpu.memory_space<hbm>> -> memref<8387712xf32, #tpu.memory_space<hbm>>
    %dma_wait3A_106 = arith.constant 0 : i32
    %dma_wait3A_107 = tpu.memref_slice %dma_wait3A_105[%dma_wait3A_106] : memref<8387712xf32, #tpu.memory_space<hbm>> -> memref<8387712xf32, #tpu.memory_space<hbm>>
    tpu.wait_indirect_dma semaphore(%arg7 : memref<!tpu.dma_semaphore, #tpu.memory_space<semaphore_mem>>) src(%dma_wait3A_107 : memref<8387712xf32, #tpu.memory_space<hbm>>) dst(%dma_wait3A_103 : memref<512xf32, #tpu.memory_space<vmem>>)
    %dma_wait3A_108 = arith.constant 512 : i32
    %dma_wait3A_109 = tpu.memref_slice %arg6[%dma_wait3A_108] : memref<8192xf32, #tpu.memory_space<vmem>> -> memref<512xf32, #tpu.memory_space<vmem>>
    %dma_wait3A_110 = arith.constant 128 : i32
    %dma_wait3A_111 = tpu.memref_slice %arg2[%dma_wait3A_110] : memref<16777216xf32, #tpu.memory_space<hbm>> -> memref<8387712xf32, #tpu.memory_space<hbm>>
    %dma_wait3A_112 = arith.constant 0 : i32
    %dma_wait3A_113 = tpu.memref_slice %dma_wait3A_111[%dma_wait3A_112] : memref<8387712xf32, #tpu.memory_space<hbm>> -> memref<8387712xf32, #tpu.memory_space<hbm>>
    tpu.wait_indirect_dma semaphore(%arg7 : memref<!tpu.dma_semaphore, #tpu.memory_space<semaphore_mem>>) src(%dma_wait3A_113 : memref<8387712xf32, #tpu.memory_space<hbm>>) dst(%dma_wait3A_109 : memref<512xf32, #tpu.memory_space<vmem>>)
    %dma_wait3A_114 = arith.constant 1024 : i32
    %dma_wait3A_115 = tpu.memref_slice %arg6[%dma_wait3A_114] : memref<8192xf32, #tpu.memory_space<vmem>> -> memref<512xf32, #tpu.memory_space<vmem>>
    %dma_wait3A_116 = arith.constant 256 : i32
    %dma_wait3A_117 = tpu.memref_slice %arg2[%dma_wait3A_116] : memref<16777216xf32, #tpu.memory_space<hbm>> -> memref<8387712xf32, #tpu.memory_space<hbm>>
    %dma_wait3A_118 = arith.constant 0 : i32
    %dma_wait3A_119 = tpu.memref_slice %dma_wait3A_117[%dma_wait3A_118] : memref<8387712xf32, #tpu.memory_space<hbm>> -> memref<8387712xf32, #tpu.memory_space<hbm>>
    tpu.wait_indirect_dma semaphore(%arg7 : memref<!tpu.dma_semaphore, #tpu.memory_space<semaphore_mem>>) src(%dma_wait3A_119 : memref<8387712xf32, #tpu.memory_space<hbm>>) dst(%dma_wait3A_115 : memref<512xf32, #tpu.memory_space<vmem>>)
    %dma_wait3A_120 = arith.constant 1536 : i32
    %dma_wait3A_121 = tpu.memref_slice %arg6[%dma_wait3A_120] : memref<8192xf32, #tpu.memory_space<vmem>> -> memref<512xf32, #tpu.memory_space<vmem>>
    %dma_wait3A_122 = arith.constant 384 : i32
    %dma_wait3A_123 = tpu.memref_slice %arg2[%dma_wait3A_122] : memref<16777216xf32, #tpu.memory_space<hbm>> -> memref<8387712xf32, #tpu.memory_space<hbm>>
    %dma_wait3A_124 = arith.constant 0 : i32
    %dma_wait3A_125 = tpu.memref_slice %dma_wait3A_123[%dma_wait3A_124] : memref<8387712xf32, #tpu.memory_space<hbm>> -> memref<8387712xf32, #tpu.memory_space<hbm>>
    tpu.wait_indirect_dma semaphore(%arg7 : memref<!tpu.dma_semaphore, #tpu.memory_space<semaphore_mem>>) src(%dma_wait3A_125 : memref<8387712xf32, #tpu.memory_space<hbm>>) dst(%dma_wait3A_121 : memref<512xf32, #tpu.memory_space<vmem>>)
    %dma_wait3A_126 = arith.constant 2048 : i32
    %dma_wait3A_127 = tpu.memref_slice %arg6[%dma_wait3A_126] : memref<8192xf32, #tpu.memory_space<vmem>> -> memref<512xf32, #tpu.memory_space<vmem>>
    %dma_wait3A_128 = arith.constant 512 : i32
    %dma_wait3A_129 = tpu.memref_slice %arg2[%dma_wait3A_128] : memref<16777216xf32, #tpu.memory_space<hbm>> -> memref<8387712xf32, #tpu.memory_space<hbm>>
    %dma_wait3A_130 = arith.constant 0 : i32
    %dma_wait3A_131 = tpu.memref_slice %dma_wait3A_129[%dma_wait3A_130] : memref<8387712xf32, #tpu.memory_space<hbm>> -> memref<8387712xf32, #tpu.memory_space<hbm>>
    tpu.wait_indirect_dma semaphore(%arg7 : memref<!tpu.dma_semaphore, #tpu.memory_space<semaphore_mem>>) src(%dma_wait3A_131 : memref<8387712xf32, #tpu.memory_space<hbm>>) dst(%dma_wait3A_127 : memref<512xf32, #tpu.memory_space<vmem>>)
    %dma_wait3A_132 = arith.constant 2560 : i32
    %dma_wait3A_133 = tpu.memref_slice %arg6[%dma_wait3A_132] : memref<8192xf32, #tpu.memory_space<vmem>> -> memref<512xf32, #tpu.memory_space<vmem>>
    %dma_wait3A_134 = arith.constant 640 : i32
    %dma_wait3A_135 = tpu.memref_slice %arg2[%dma_wait3A_134] : memref<16777216xf32, #tpu.memory_space<hbm>> -> memref<8387712xf32, #tpu.memory_space<hbm>>
    %dma_wait3A_136 = arith.constant 0 : i32
    %dma_wait3A_137 = tpu.memref_slice %dma_wait3A_135[%dma_wait3A_136] : memref<8387712xf32, #tpu.memory_space<hbm>> -> memref<8387712xf32, #tpu.memory_space<hbm>>
    tpu.wait_indirect_dma semaphore(%arg7 : memref<!tpu.dma_semaphore, #tpu.memory_space<semaphore_mem>>) src(%dma_wait3A_137 : memref<8387712xf32, #tpu.memory_space<hbm>>) dst(%dma_wait3A_133 : memref<512xf32, #tpu.memory_space<vmem>>)
    %dma_wait3A_138 = arith.constant 3072 : i32
    %dma_wait3A_139 = tpu.memref_slice %arg6[%dma_wait3A_138] : memref<8192xf32, #tpu.memory_space<vmem>> -> memref<512xf32, #tpu.memory_space<vmem>>
    %dma_wait3A_140 = arith.constant 768 : i32
    %dma_wait3A_141 = tpu.memref_slice %arg2[%dma_wait3A_140] : memref<16777216xf32, #tpu.memory_space<hbm>> -> memref<8387712xf32, #tpu.memory_space<hbm>>
    %dma_wait3A_142 = arith.constant 0 : i32
    %dma_wait3A_143 = tpu.memref_slice %dma_wait3A_141[%dma_wait3A_142] : memref<8387712xf32, #tpu.memory_space<hbm>> -> memref<8387712xf32, #tpu.memory_space<hbm>>
    tpu.wait_indirect_dma semaphore(%arg7 : memref<!tpu.dma_semaphore, #tpu.memory_space<semaphore_mem>>) src(%dma_wait3A_143 : memref<8387712xf32, #tpu.memory_space<hbm>>) dst(%dma_wait3A_139 : memref<512xf32, #tpu.memory_space<vmem>>)
    %dma_wait3A_144 = arith.constant 3584 : i32
    %dma_wait3A_145 = tpu.memref_slice %arg6[%dma_wait3A_144] : memref<8192xf32, #tpu.memory_space<vmem>> -> memref<512xf32, #tpu.memory_space<vmem>>
    %dma_wait3A_146 = arith.constant 896 : i32
    %dma_wait3A_147 = tpu.memref_slice %arg2[%dma_wait3A_146] : memref<16777216xf32, #tpu.memory_space<hbm>> -> memref<8387712xf32, #tpu.memory_space<hbm>>
    %dma_wait3A_148 = arith.constant 0 : i32
    %dma_wait3A_149 = tpu.memref_slice %dma_wait3A_147[%dma_wait3A_148] : memref<8387712xf32, #tpu.memory_space<hbm>> -> memref<8387712xf32, #tpu.memory_space<hbm>>
    tpu.wait_indirect_dma semaphore(%arg7 : memref<!tpu.dma_semaphore, #tpu.memory_space<semaphore_mem>>) src(%dma_wait3A_149 : memref<8387712xf32, #tpu.memory_space<hbm>>) dst(%dma_wait3A_145 : memref<512xf32, #tpu.memory_space<vmem>>)
    %run_scoped3A = arith.constant 0 : i32
    "tpu.region"() ({
      %run_scoped3A_213 = tpu.sem_alloc : memref<!tpu.dma_semaphore, #tpu.memory_space<semaphore_mem>>
      %dma_start3A_214 = arith.constant 0 : i32
      %dma_start3A_215 = tpu.memref_slice %arg6[%dma_start3A_214] : memref<8192xf32, #tpu.memory_space<vmem>> -> memref<512xf32, #tpu.memory_space<vmem>>
      %dma_start3A_216 = tpu.memref_slice %arg4[%run_scoped3A, %mul3A_2] : memref<16x16384xf32, #tpu.memory_space<hbm>> -> memref<1x512xf32, #tpu.memory_space<hbm>>
      %dma_start3A_217 = tpu.memref_squeeze %dma_start3A_216 : memref<1x512xf32, #tpu.memory_space<hbm>> -> memref<512xf32, #tpu.memory_space<hbm>>
      %dma_start3A_218 = tpu.memref_slice %arg4[%run_scoped3A, %mul3A_2] : memref<16x16384xf32, #tpu.memory_space<hbm>> -> memref<1x512xf32, #tpu.memory_space<hbm>>
      %dma_start3A_219 = tpu.memref_squeeze %dma_start3A_218 : memref<1x512xf32, #tpu.memory_space<hbm>> -> memref<512xf32, #tpu.memory_space<hbm>>
      %dma_start3A_220 = arith.constant 0 : i32
      %dma_start3A_221 = tpu.memref_slice %arg6[%dma_start3A_220] : memref<8192xf32, #tpu.memory_space<vmem>> -> memref<512xf32, #tpu.memory_space<vmem>>
      tpu.enqueue_dma source(%dma_start3A_221 : memref<512xf32, #tpu.memory_space<vmem>>) target(%dma_start3A_219 : memref<512xf32, #tpu.memory_space<hbm>>) target_semaphore(%run_scoped3A_213 : memref<!tpu.dma_semaphore, #tpu.memory_space<semaphore_mem>>)
      %dma_wait3A_222 = arith.constant 0 : i32
      %dma_wait3A_223 = tpu.memref_slice %arg6[%dma_wait3A_222] : memref<8192xf32, #tpu.memory_space<vmem>> -> memref<512xf32, #tpu.memory_space<vmem>>
      %dma_wait3A_224 = tpu.memref_slice %arg4[%run_scoped3A, %mul3A_2] : memref<16x16384xf32, #tpu.memory_space<hbm>> -> memref<1x512xf32, #tpu.memory_space<hbm>>
      %dma_wait3A_225 = tpu.memref_squeeze %dma_wait3A_224 : memref<1x512xf32, #tpu.memory_space<hbm>> -> memref<512xf32, #tpu.memory_space<hbm>>
      %dma_wait3A_226 = tpu.memref_slice %arg4[%run_scoped3A, %mul3A_2] : memref<16x16384xf32, #tpu.memory_space<hbm>> -> memref<1x512xf32, #tpu.memory_space<hbm>>
      %dma_wait3A_227 = tpu.memref_squeeze %dma_wait3A_226 : memref<1x512xf32, #tpu.memory_space<hbm>> -> memref<512xf32, #tpu.memory_space<hbm>>
      %dma_wait3A_228 = arith.constant 0 : i32
      %dma_wait3A_229 = tpu.memref_slice %arg6[%dma_wait3A_228] : memref<8192xf32, #tpu.memory_space<vmem>> -> memref<512xf32, #tpu.memory_space<vmem>>
      tpu.wait_dma2 semaphore(%run_scoped3A_213 : memref<!tpu.dma_semaphore, #tpu.memory_space<semaphore_mem>>) src(%dma_wait3A_229 : memref<512xf32, #tpu.memory_space<vmem>>) dst(%dma_wait3A_227 : memref<512xf32, #tpu.memory_space<hbm>>)
      tpu.yield
    }) : () -> ()
    %run_scoped3A_150 = arith.constant 1 : i32
    "tpu.region"() ({
      %run_scoped3A_213 = tpu.sem_alloc : memref<!tpu.dma_semaphore, #tpu.memory_space<semaphore_mem>>
      %dma_start3A_214 = arith.constant 512 : i32
      %dma_start3A_215 = tpu.memref_slice %arg6[%dma_start3A_214] : memref<8192xf32, #tpu.memory_space<vmem>> -> memref<512xf32, #tpu.memory_space<vmem>>
      %dma_start3A_216 = tpu.memref_slice %arg4[%run_scoped3A_150, %mul3A_2] : memref<16x16384xf32, #tpu.memory_space<hbm>> -> memref<1x512xf32, #tpu.memory_space<hbm>>
      %dma_start3A_217 = tpu.memref_squeeze %dma_start3A_216 : memref<1x512xf32, #tpu.memory_space<hbm>> -> memref<512xf32, #tpu.memory_space<hbm>>
      %dma_start3A_218 = tpu.memref_slice %arg4[%run_scoped3A_150, %mul3A_2] : memref<16x16384xf32, #tpu.memory_space<hbm>> -> memref<1x512xf32, #tpu.memory_space<hbm>>
      %dma_start3A_219 = tpu.memref_squeeze %dma_start3A_218 : memref<1x512xf32, #tpu.memory_space<hbm>> -> memref<512xf32, #tpu.memory_space<hbm>>
      %dma_start3A_220 = arith.constant 512 : i32
      %dma_start3A_221 = tpu.memref_slice %arg6[%dma_start3A_220] : memref<8192xf32, #tpu.memory_space<vmem>> -> memref<512xf32, #tpu.memory_space<vmem>>
      tpu.enqueue_dma source(%dma_start3A_221 : memref<512xf32, #tpu.memory_space<vmem>>) target(%dma_start3A_219 : memref<512xf32, #tpu.memory_space<hbm>>) target_semaphore(%run_scoped3A_213 : memref<!tpu.dma_semaphore, #tpu.memory_space<semaphore_mem>>)
      %dma_wait3A_222 = arith.constant 512 : i32
      %dma_wait3A_223 = tpu.memref_slice %arg6[%dma_wait3A_222] : memref<8192xf32, #tpu.memory_space<vmem>> -> memref<512xf32, #tpu.memory_space<vmem>>
      %dma_wait3A_224 = tpu.memref_slice %arg4[%run_scoped3A_150, %mul3A_2] : memref<16x16384xf32, #tpu.memory_space<hbm>> -> memref<1x512xf32, #tpu.memory_space<hbm>>
      %dma_wait3A_225 = tpu.memref_squeeze %dma_wait3A_224 : memref<1x512xf32, #tpu.memory_space<hbm>> -> memref<512xf32, #tpu.memory_space<hbm>>
      %dma_wait3A_226 = tpu.memref_slice %arg4[%run_scoped3A_150, %mul3A_2] : memref<16x16384xf32, #tpu.memory_space<hbm>> -> memref<1x512xf32, #tpu.memory_space<hbm>>
      %dma_wait3A_227 = tpu.memref_squeeze %dma_wait3A_226 : memref<1x512xf32, #tpu.memory_space<hbm>> -> memref<512xf32, #tpu.memory_space<hbm>>
      %dma_wait3A_228 = arith.constant 512 : i32
      %dma_wait3A_229 = tpu.memref_slice %arg6[%dma_wait3A_228] : memref<8192xf32, #tpu.memory_space<vmem>> -> memref<512xf32, #tpu.memory_space<vmem>>
      tpu.wait_dma2 semaphore(%run_scoped3A_213 : memref<!tpu.dma_semaphore, #tpu.memory_space<semaphore_mem>>) src(%dma_wait3A_229 : memref<512xf32, #tpu.memory_space<vmem>>) dst(%dma_wait3A_227 : memref<512xf32, #tpu.memory_space<hbm>>)
      tpu.yield
    }) : () -> ()
    %run_scoped3A_151 = arith.constant 2 : i32
    "tpu.region"() ({
      %run_scoped3A_213 = tpu.sem_alloc : memref<!tpu.dma_semaphore, #tpu.memory_space<semaphore_mem>>
      %dma_start3A_214 = arith.constant 1024 : i32
      %dma_start3A_215 = tpu.memref_slice %arg6[%dma_start3A_214] : memref<8192xf32, #tpu.memory_space<vmem>> -> memref<512xf32, #tpu.memory_space<vmem>>
      %dma_start3A_216 = tpu.memref_slice %arg4[%run_scoped3A_151, %mul3A_2] : memref<16x16384xf32, #tpu.memory_space<hbm>> -> memref<1x512xf32, #tpu.memory_space<hbm>>
      %dma_start3A_217 = tpu.memref_squeeze %dma_start3A_216 : memref<1x512xf32, #tpu.memory_space<hbm>> -> memref<512xf32, #tpu.memory_space<hbm>>
      %dma_start3A_218 = tpu.memref_slice %arg4[%run_scoped3A_151, %mul3A_2] : memref<16x16384xf32, #tpu.memory_space<hbm>> -> memref<1x512xf32, #tpu.memory_space<hbm>>
      %dma_start3A_219 = tpu.memref_squeeze %dma_start3A_218 : memref<1x512xf32, #tpu.memory_space<hbm>> -> memref<512xf32, #tpu.memory_space<hbm>>
      %dma_start3A_220 = arith.constant 1024 : i32
      %dma_start3A_221 = tpu.memref_slice %arg6[%dma_start3A_220] : memref<8192xf32, #tpu.memory_space<vmem>> -> memref<512xf32, #tpu.memory_space<vmem>>
      tpu.enqueue_dma source(%dma_start3A_221 : memref<512xf32, #tpu.memory_space<vmem>>) target(%dma_start3A_219 : memref<512xf32, #tpu.memory_space<hbm>>) target_semaphore(%run_scoped3A_213 : memref<!tpu.dma_semaphore, #tpu.memory_space<semaphore_mem>>)
      %dma_wait3A_222 = arith.constant 1024 : i32
      %dma_wait3A_223 = tpu.memref_slice %arg6[%dma_wait3A_222] : memref<8192xf32, #tpu.memory_space<vmem>> -> memref<512xf32, #tpu.memory_space<vmem>>
      %dma_wait3A_224 = tpu.memref_slice %arg4[%run_scoped3A_151, %mul3A_2] : memref<16x16384xf32, #tpu.memory_space<hbm>> -> memref<1x512xf32, #tpu.memory_space<hbm>>
      %dma_wait3A_225 = tpu.memref_squeeze %dma_wait3A_224 : memref<1x512xf32, #tpu.memory_space<hbm>> -> memref<512xf32, #tpu.memory_space<hbm>>
      %dma_wait3A_226 = tpu.memref_slice %arg4[%run_scoped3A_151, %mul3A_2] : memref<16x16384xf32, #tpu.memory_space<hbm>> -> memref<1x512xf32, #tpu.memory_space<hbm>>
      %dma_wait3A_227 = tpu.memref_squeeze %dma_wait3A_226 : memref<1x512xf32, #tpu.memory_space<hbm>> -> memref<512xf32, #tpu.memory_space<hbm>>
      %dma_wait3A_228 = arith.constant 1024 : i32
      %dma_wait3A_229 = tpu.memref_slice %arg6[%dma_wait3A_228] : memref<8192xf32, #tpu.memory_space<vmem>> -> memref<512xf32, #tpu.memory_space<vmem>>
      tpu.wait_dma2 semaphore(%run_scoped3A_213 : memref<!tpu.dma_semaphore, #tpu.memory_space<semaphore_mem>>) src(%dma_wait3A_229 : memref<512xf32, #tpu.memory_space<vmem>>) dst(%dma_wait3A_227 : memref<512xf32, #tpu.memory_space<hbm>>)
      tpu.yield
    }) : () -> ()
    %run_scoped3A_152 = arith.constant 3 : i32
    "tpu.region"() ({
      %run_scoped3A_213 = tpu.sem_alloc : memref<!tpu.dma_semaphore, #tpu.memory_space<semaphore_mem>>
      %dma_start3A_214 = arith.constant 1536 : i32
      %dma_start3A_215 = tpu.memref_slice %arg6[%dma_start3A_214] : memref<8192xf32, #tpu.memory_space<vmem>> -> memref<512xf32, #tpu.memory_space<vmem>>
      %dma_start3A_216 = tpu.memref_slice %arg4[%run_scoped3A_152, %mul3A_2] : memref<16x16384xf32, #tpu.memory_space<hbm>> -> memref<1x512xf32, #tpu.memory_space<hbm>>
      %dma_start3A_217 = tpu.memref_squeeze %dma_start3A_216 : memref<1x512xf32, #tpu.memory_space<hbm>> -> memref<512xf32, #tpu.memory_space<hbm>>
      %dma_start3A_218 = tpu.memref_slice %arg4[%run_scoped3A_152, %mul3A_2] : memref<16x16384xf32, #tpu.memory_space<hbm>> -> memref<1x512xf32, #tpu.memory_space<hbm>>
      %dma_start3A_219 = tpu.memref_squeeze %dma_start3A_218 : memref<1x512xf32, #tpu.memory_space<hbm>> -> memref<512xf32, #tpu.memory_space<hbm>>
      %dma_start3A_220 = arith.constant 1536 : i32
      %dma_start3A_221 = tpu.memref_slice %arg6[%dma_start3A_220] : memref<8192xf32, #tpu.memory_space<vmem>> -> memref<512xf32, #tpu.memory_space<vmem>>
      tpu.enqueue_dma source(%dma_start3A_221 : memref<512xf32, #tpu.memory_space<vmem>>) target(%dma_start3A_219 : memref<512xf32, #tpu.memory_space<hbm>>) target_semaphore(%run_scoped3A_213 : memref<!tpu.dma_semaphore, #tpu.memory_space<semaphore_mem>>)
      %dma_wait3A_222 = arith.constant 1536 : i32
      %dma_wait3A_223 = tpu.memref_slice %arg6[%dma_wait3A_222] : memref<8192xf32, #tpu.memory_space<vmem>> -> memref<512xf32, #tpu.memory_space<vmem>>
      %dma_wait3A_224 = tpu.memref_slice %arg4[%run_scoped3A_152, %mul3A_2] : memref<16x16384xf32, #tpu.memory_space<hbm>> -> memref<1x512xf32, #tpu.memory_space<hbm>>
      %dma_wait3A_225 = tpu.memref_squeeze %dma_wait3A_224 : memref<1x512xf32, #tpu.memory_space<hbm>> -> memref<512xf32, #tpu.memory_space<hbm>>
      %dma_wait3A_226 = tpu.memref_slice %arg4[%run_scoped3A_152, %mul3A_2] : memref<16x16384xf32, #tpu.memory_space<hbm>> -> memref<1x512xf32, #tpu.memory_space<hbm>>
      %dma_wait3A_227 = tpu.memref_squeeze %dma_wait3A_226 : memref<1x512xf32, #tpu.memory_space<hbm>> -> memref<512xf32, #tpu.memory_space<hbm>>
      %dma_wait3A_228 = arith.constant 1536 : i32
      %dma_wait3A_229 = tpu.memref_slice %arg6[%dma_wait3A_228] : memref<8192xf32, #tpu.memory_space<vmem>> -> memref<512xf32, #tpu.memory_space<vmem>>
      tpu.wait_dma2 semaphore(%run_scoped3A_213 : memref<!tpu.dma_semaphore, #tpu.memory_space<semaphore_mem>>) src(%dma_wait3A_229 : memref<512xf32, #tpu.memory_space<vmem>>) dst(%dma_wait3A_227 : memref<512xf32, #tpu.memory_space<hbm>>)
      tpu.yield
    }) : () -> ()
    %run_scoped3A_153 = arith.constant 4 : i32
    "tpu.region"() ({
      %run_scoped3A_213 = tpu.sem_alloc : memref<!tpu.dma_semaphore, #tpu.memory_space<semaphore_mem>>
      %dma_start3A_214 = arith.constant 2048 : i32
      %dma_start3A_215 = tpu.memref_slice %arg6[%dma_start3A_214] : memref<8192xf32, #tpu.memory_space<vmem>> -> memref<512xf32, #tpu.memory_space<vmem>>
      %dma_start3A_216 = tpu.memref_slice %arg4[%run_scoped3A_153, %mul3A_2] : memref<16x16384xf32, #tpu.memory_space<hbm>> -> memref<1x512xf32, #tpu.memory_space<hbm>>
      %dma_start3A_217 = tpu.memref_squeeze %dma_start3A_216 : memref<1x512xf32, #tpu.memory_space<hbm>> -> memref<512xf32, #tpu.memory_space<hbm>>
      %dma_start3A_218 = tpu.memref_slice %arg4[%run_scoped3A_153, %mul3A_2] : memref<16x16384xf32, #tpu.memory_space<hbm>> -> memref<1x512xf32, #tpu.memory_space<hbm>>
      %dma_start3A_219 = tpu.memref_squeeze %dma_start3A_218 : memref<1x512xf32, #tpu.memory_space<hbm>> -> memref<512xf32, #tpu.memory_space<hbm>>
      %dma_start3A_220 = arith.constant 2048 : i32
      %dma_start3A_221 = tpu.memref_slice %arg6[%dma_start3A_220] : memref<8192xf32, #tpu.memory_space<vmem>> -> memref<512xf32, #tpu.memory_space<vmem>>
      tpu.enqueue_dma source(%dma_start3A_221 : memref<512xf32, #tpu.memory_space<vmem>>) target(%dma_start3A_219 : memref<512xf32, #tpu.memory_space<hbm>>) target_semaphore(%run_scoped3A_213 : memref<!tpu.dma_semaphore, #tpu.memory_space<semaphore_mem>>)
      %dma_wait3A_222 = arith.constant 2048 : i32
      %dma_wait3A_223 = tpu.memref_slice %arg6[%dma_wait3A_222] : memref<8192xf32, #tpu.memory_space<vmem>> -> memref<512xf32, #tpu.memory_space<vmem>>
      %dma_wait3A_224 = tpu.memref_slice %arg4[%run_scoped3A_153, %mul3A_2] : memref<16x16384xf32, #tpu.memory_space<hbm>> -> memref<1x512xf32, #tpu.memory_space<hbm>>
      %dma_wait3A_225 = tpu.memref_squeeze %dma_wait3A_224 : memref<1x512xf32, #tpu.memory_space<hbm>> -> memref<512xf32, #tpu.memory_space<hbm>>
      %dma_wait3A_226 = tpu.memref_slice %arg4[%run_scoped3A_153, %mul3A_2] : memref<16x16384xf32, #tpu.memory_space<hbm>> -> memref<1x512xf32, #tpu.memory_space<hbm>>
      %dma_wait3A_227 = tpu.memref_squeeze %dma_wait3A_226 : memref<1x512xf32, #tpu.memory_space<hbm>> -> memref<512xf32, #tpu.memory_space<hbm>>
      %dma_wait3A_228 = arith.constant 2048 : i32
      %dma_wait3A_229 = tpu.memref_slice %arg6[%dma_wait3A_228] : memref<8192xf32, #tpu.memory_space<vmem>> -> memref<512xf32, #tpu.memory_space<vmem>>
      tpu.wait_dma2 semaphore(%run_scoped3A_213 : memref<!tpu.dma_semaphore, #tpu.memory_space<semaphore_mem>>) src(%dma_wait3A_229 : memref<512xf32, #tpu.memory_space<vmem>>) dst(%dma_wait3A_227 : memref<512xf32, #tpu.memory_space<hbm>>)
      tpu.yield
    }) : () -> ()
    %run_scoped3A_154 = arith.constant 5 : i32
    "tpu.region"() ({
      %run_scoped3A_213 = tpu.sem_alloc : memref<!tpu.dma_semaphore, #tpu.memory_space<semaphore_mem>>
      %dma_start3A_214 = arith.constant 2560 : i32
      %dma_start3A_215 = tpu.memref_slice %arg6[%dma_start3A_214] : memref<8192xf32, #tpu.memory_space<vmem>> -> memref<512xf32, #tpu.memory_space<vmem>>
      %dma_start3A_216 = tpu.memref_slice %arg4[%run_scoped3A_154, %mul3A_2] : memref<16x16384xf32, #tpu.memory_space<hbm>> -> memref<1x512xf32, #tpu.memory_space<hbm>>
      %dma_start3A_217 = tpu.memref_squeeze %dma_start3A_216 : memref<1x512xf32, #tpu.memory_space<hbm>> -> memref<512xf32, #tpu.memory_space<hbm>>
      %dma_start3A_218 = tpu.memref_slice %arg4[%run_scoped3A_154, %mul3A_2] : memref<16x16384xf32, #tpu.memory_space<hbm>> -> memref<1x512xf32, #tpu.memory_space<hbm>>
      %dma_start3A_219 = tpu.memref_squeeze %dma_start3A_218 : memref<1x512xf32, #tpu.memory_space<hbm>> -> memref<512xf32, #tpu.memory_space<hbm>>
      %dma_start3A_220 = arith.constant 2560 : i32
      %dma_start3A_221 = tpu.memref_slice %arg6[%dma_start3A_220] : memref<8192xf32, #tpu.memory_space<vmem>> -> memref<512xf32, #tpu.memory_space<vmem>>
      tpu.enqueue_dma source(%dma_start3A_221 : memref<512xf32, #tpu.memory_space<vmem>>) target(%dma_start3A_219 : memref<512xf32, #tpu.memory_space<hbm>>) target_semaphore(%run_scoped3A_213 : memref<!tpu.dma_semaphore, #tpu.memory_space<semaphore_mem>>)
      %dma_wait3A_222 = arith.constant 2560 : i32
      %dma_wait3A_223 = tpu.memref_slice %arg6[%dma_wait3A_222] : memref<8192xf32, #tpu.memory_space<vmem>> -> memref<512xf32, #tpu.memory_space<vmem>>
      %dma_wait3A_224 = tpu.memref_slice %arg4[%run_scoped3A_154, %mul3A_2] : memref<16x16384xf32, #tpu.memory_space<hbm>> -> memref<1x512xf32, #tpu.memory_space<hbm>>
      %dma_wait3A_225 = tpu.memref_squeeze %dma_wait3A_224 : memref<1x512xf32, #tpu.memory_space<hbm>> -> memref<512xf32, #tpu.memory_space<hbm>>
      %dma_wait3A_226 = tpu.memref_slice %arg4[%run_scoped3A_154, %mul3A_2] : memref<16x16384xf32, #tpu.memory_space<hbm>> -> memref<1x512xf32, #tpu.memory_space<hbm>>
      %dma_wait3A_227 = tpu.memref_squeeze %dma_wait3A_226 : memref<1x512xf32, #tpu.memory_space<hbm>> -> memref<512xf32, #tpu.memory_space<hbm>>
      %dma_wait3A_228 = arith.constant 2560 : i32
      %dma_wait3A_229 = tpu.memref_slice %arg6[%dma_wait3A_228] : memref<8192xf32, #tpu.memory_space<vmem>> -> memref<512xf32, #tpu.memory_space<vmem>>
      tpu.wait_dma2 semaphore(%run_scoped3A_213 : memref<!tpu.dma_semaphore, #tpu.memory_space<semaphore_mem>>) src(%dma_wait3A_229 : memref<512xf32, #tpu.memory_space<vmem>>) dst(%dma_wait3A_227 : memref<512xf32, #tpu.memory_space<hbm>>)
      tpu.yield
    }) : () -> ()
    %run_scoped3A_155 = arith.constant 6 : i32
    "tpu.region"() ({
      %run_scoped3A_213 = tpu.sem_alloc : memref<!tpu.dma_semaphore, #tpu.memory_space<semaphore_mem>>
      %dma_start3A_214 = arith.constant 3072 : i32
      %dma_start3A_215 = tpu.memref_slice %arg6[%dma_start3A_214] : memref<8192xf32, #tpu.memory_space<vmem>> -> memref<512xf32, #tpu.memory_space<vmem>>
      %dma_start3A_216 = tpu.memref_slice %arg4[%run_scoped3A_155, %mul3A_2] : memref<16x16384xf32, #tpu.memory_space<hbm>> -> memref<1x512xf32, #tpu.memory_space<hbm>>
      %dma_start3A_217 = tpu.memref_squeeze %dma_start3A_216 : memref<1x512xf32, #tpu.memory_space<hbm>> -> memref<512xf32, #tpu.memory_space<hbm>>
      %dma_start3A_218 = tpu.memref_slice %arg4[%run_scoped3A_155, %mul3A_2] : memref<16x16384xf32, #tpu.memory_space<hbm>> -> memref<1x512xf32, #tpu.memory_space<hbm>>
      %dma_start3A_219 = tpu.memref_squeeze %dma_start3A_218 : memref<1x512xf32, #tpu.memory_space<hbm>> -> memref<512xf32, #tpu.memory_space<hbm>>
      %dma_start3A_220 = arith.constant 3072 : i32
      %dma_start3A_221 = tpu.memref_slice %arg6[%dma_start3A_220] : memref<8192xf32, #tpu.memory_space<vmem>> -> memref<512xf32, #tpu.memory_space<vmem>>
      tpu.enqueue_dma source(%dma_start3A_221 : memref<512xf32, #tpu.memory_space<vmem>>) target(%dma_start3A_219 : memref<512xf32, #tpu.memory_space<hbm>>) target_semaphore(%run_scoped3A_213 : memref<!tpu.dma_semaphore, #tpu.memory_space<semaphore_mem>>)
      %dma_wait3A_222 = arith.constant 3072 : i32
      %dma_wait3A_223 = tpu.memref_slice %arg6[%dma_wait3A_222] : memref<8192xf32, #tpu.memory_space<vmem>> -> memref<512xf32, #tpu.memory_space<vmem>>
      %dma_wait3A_224 = tpu.memref_slice %arg4[%run_scoped3A_155, %mul3A_2] : memref<16x16384xf32, #tpu.memory_space<hbm>> -> memref<1x512xf32, #tpu.memory_space<hbm>>
      %dma_wait3A_225 = tpu.memref_squeeze %dma_wait3A_224 : memref<1x512xf32, #tpu.memory_space<hbm>> -> memref<512xf32, #tpu.memory_space<hbm>>
      %dma_wait3A_226 = tpu.memref_slice %arg4[%run_scoped3A_155, %mul3A_2] : memref<16x16384xf32, #tpu.memory_space<hbm>> -> memref<1x512xf32, #tpu.memory_space<hbm>>
      %dma_wait3A_227 = tpu.memref_squeeze %dma_wait3A_226 : memref<1x512xf32, #tpu.memory_space<hbm>> -> memref<512xf32, #tpu.memory_space<hbm>>
      %dma_wait3A_228 = arith.constant 3072 : i32
      %dma_wait3A_229 = tpu.memref_slice %arg6[%dma_wait3A_228] : memref<8192xf32, #tpu.memory_space<vmem>> -> memref<512xf32, #tpu.memory_space<vmem>>
      tpu.wait_dma2 semaphore(%run_scoped3A_213 : memref<!tpu.dma_semaphore, #tpu.memory_space<semaphore_mem>>) src(%dma_wait3A_229 : memref<512xf32, #tpu.memory_space<vmem>>) dst(%dma_wait3A_227 : memref<512xf32, #tpu.memory_space<hbm>>)
      tpu.yield
    }) : () -> ()
    %run_scoped3A_156 = arith.constant 7 : i32
    "tpu.region"() ({
      %run_scoped3A_213 = tpu.sem_alloc : memref<!tpu.dma_semaphore, #tpu.memory_space<semaphore_mem>>
      %dma_start3A_214 = arith.constant 3584 : i32
      %dma_start3A_215 = tpu.memref_slice %arg6[%dma_start3A_214] : memref<8192xf32, #tpu.memory_space<vmem>> -> memref<512xf32, #tpu.memory_space<vmem>>
      %dma_start3A_216 = tpu.memref_slice %arg4[%run_scoped3A_156, %mul3A_2] : memref<16x16384xf32, #tpu.memory_space<hbm>> -> memref<1x512xf32, #tpu.memory_space<hbm>>
      %dma_start3A_217 = tpu.memref_squeeze %dma_start3A_216 : memref<1x512xf32, #tpu.memory_space<hbm>> -> memref<512xf32, #tpu.memory_space<hbm>>
      %dma_start3A_218 = tpu.memref_slice %arg4[%run_scoped3A_156, %mul3A_2] : memref<16x16384xf32, #tpu.memory_space<hbm>> -> memref<1x512xf32, #tpu.memory_space<hbm>>
      %dma_start3A_219 = tpu.memref_squeeze %dma_start3A_218 : memref<1x512xf32, #tpu.memory_space<hbm>> -> memref<512xf32, #tpu.memory_space<hbm>>
      %dma_start3A_220 = arith.constant 3584 : i32
      %dma_start3A_221 = tpu.memref_slice %arg6[%dma_start3A_220] : memref<8192xf32, #tpu.memory_space<vmem>> -> memref<512xf32, #tpu.memory_space<vmem>>
      tpu.enqueue_dma source(%dma_start3A_221 : memref<512xf32, #tpu.memory_space<vmem>>) target(%dma_start3A_219 : memref<512xf32, #tpu.memory_space<hbm>>) target_semaphore(%run_scoped3A_213 : memref<!tpu.dma_semaphore, #tpu.memory_space<semaphore_mem>>)
      %dma_wait3A_222 = arith.constant 3584 : i32
      %dma_wait3A_223 = tpu.memref_slice %arg6[%dma_wait3A_222] : memref<8192xf32, #tpu.memory_space<vmem>> -> memref<512xf32, #tpu.memory_space<vmem>>
      %dma_wait3A_224 = tpu.memref_slice %arg4[%run_scoped3A_156, %mul3A_2] : memref<16x16384xf32, #tpu.memory_space<hbm>> -> memref<1x512xf32, #tpu.memory_space<hbm>>
      %dma_wait3A_225 = tpu.memref_squeeze %dma_wait3A_224 : memref<1x512xf32, #tpu.memory_space<hbm>> -> memref<512xf32, #tpu.memory_space<hbm>>
      %dma_wait3A_226 = tpu.memref_slice %arg4[%run_scoped3A_156, %mul3A_2] : memref<16x16384xf32, #tpu.memory_space<hbm>> -> memref<1x512xf32, #tpu.memory_space<hbm>>
      %dma_wait3A_227 = tpu.memref_squeeze %dma_wait3A_226 : memref<1x512xf32, #tpu.memory_space<hbm>> -> memref<512xf32, #tpu.memory_space<hbm>>
      %dma_wait3A_228 = arith.constant 3584 : i32
      %dma_wait3A_229 = tpu.memref_slice %arg6[%dma_wait3A_228] : memref<8192xf32, #tpu.memory_space<vmem>> -> memref<512xf32, #tpu.memory_space<vmem>>
      tpu.wait_dma2 semaphore(%run_scoped3A_213 : memref<!tpu.dma_semaphore, #tpu.memory_space<semaphore_mem>>) src(%dma_wait3A_229 : memref<512xf32, #tpu.memory_space<vmem>>) dst(%dma_wait3A_227 : memref<512xf32, #tpu.memory_space<hbm>>)
      tpu.yield
    }) : () -> ()
    %dma_wait3A_157 = arith.constant 4096 : i32
    %dma_wait3A_158 = tpu.memref_slice %arg6[%dma_wait3A_157] : memref<8192xf32, #tpu.memory_space<vmem>> -> memref<512xf32, #tpu.memory_space<vmem>>
    %dma_wait3A_159 = arith.constant 8388608 : i32
    %dma_wait3A_160 = tpu.memref_slice %arg2[%dma_wait3A_159] : memref<16777216xf32, #tpu.memory_space<hbm>> -> memref<8387712xf32, #tpu.memory_space<hbm>>
    %dma_wait3A_161 = arith.constant 0 : i32
    %dma_wait3A_162 = tpu.memref_slice %dma_wait3A_160[%dma_wait3A_161] : memref<8387712xf32, #tpu.memory_space<hbm>> -> memref<8387712xf32, #tpu.memory_space<hbm>>
    tpu.wait_indirect_dma semaphore(%arg8 : memref<!tpu.dma_semaphore, #tpu.memory_space<semaphore_mem>>) src(%dma_wait3A_162 : memref<8387712xf32, #tpu.memory_space<hbm>>) dst(%dma_wait3A_158 : memref<512xf32, #tpu.memory_space<vmem>>)
    %dma_wait3A_163 = arith.constant 4608 : i32
    %dma_wait3A_164 = tpu.memref_slice %arg6[%dma_wait3A_163] : memref<8192xf32, #tpu.memory_space<vmem>> -> memref<512xf32, #tpu.memory_space<vmem>>
    %dma_wait3A_165 = arith.constant 8388736 : i32
    %dma_wait3A_166 = tpu.memref_slice %arg2[%dma_wait3A_165] : memref<16777216xf32, #tpu.memory_space<hbm>> -> memref<8387712xf32, #tpu.memory_space<hbm>>
    %dma_wait3A_167 = arith.constant 0 : i32
    %dma_wait3A_168 = tpu.memref_slice %dma_wait3A_166[%dma_wait3A_167] : memref<8387712xf32, #tpu.memory_space<hbm>> -> memref<8387712xf32, #tpu.memory_space<hbm>>
    tpu.wait_indirect_dma semaphore(%arg8 : memref<!tpu.dma_semaphore, #tpu.memory_space<semaphore_mem>>) src(%dma_wait3A_168 : memref<8387712xf32, #tpu.memory_space<hbm>>) dst(%dma_wait3A_164 : memref<512xf32, #tpu.memory_space<vmem>>)
    %dma_wait3A_169 = arith.constant 5120 : i32
    %dma_wait3A_170 = tpu.memref_slice %arg6[%dma_wait3A_169] : memref<8192xf32, #tpu.memory_space<vmem>> -> memref<512xf32, #tpu.memory_space<vmem>>
    %dma_wait3A_171 = arith.constant 8388864 : i32
    %dma_wait3A_172 = tpu.memref_slice %arg2[%dma_wait3A_171] : memref<16777216xf32, #tpu.memory_space<hbm>> -> memref<8387712xf32, #tpu.memory_space<hbm>>
    %dma_wait3A_173 = arith.constant 0 : i32
    %dma_wait3A_174 = tpu.memref_slice %dma_wait3A_172[%dma_wait3A_173] : memref<8387712xf32, #tpu.memory_space<hbm>> -> memref<8387712xf32, #tpu.memory_space<hbm>>
    tpu.wait_indirect_dma semaphore(%arg8 : memref<!tpu.dma_semaphore, #tpu.memory_space<semaphore_mem>>) src(%dma_wait3A_174 : memref<8387712xf32, #tpu.memory_space<hbm>>) dst(%dma_wait3A_170 : memref<512xf32, #tpu.memory_space<vmem>>)
    %dma_wait3A_175 = arith.constant 5632 : i32
    %dma_wait3A_176 = tpu.memref_slice %arg6[%dma_wait3A_175] : memref<8192xf32, #tpu.memory_space<vmem>> -> memref<512xf32, #tpu.memory_space<vmem>>
    %dma_wait3A_177 = arith.constant 8388992 : i32
    %dma_wait3A_178 = tpu.memref_slice %arg2[%dma_wait3A_177] : memref<16777216xf32, #tpu.memory_space<hbm>> -> memref<8387712xf32, #tpu.memory_space<hbm>>
    %dma_wait3A_179 = arith.constant 0 : i32
    %dma_wait3A_180 = tpu.memref_slice %dma_wait3A_178[%dma_wait3A_179] : memref<8387712xf32, #tpu.memory_space<hbm>> -> memref<8387712xf32, #tpu.memory_space<hbm>>
    tpu.wait_indirect_dma semaphore(%arg8 : memref<!tpu.dma_semaphore, #tpu.memory_space<semaphore_mem>>) src(%dma_wait3A_180 : memref<8387712xf32, #tpu.memory_space<hbm>>) dst(%dma_wait3A_176 : memref<512xf32, #tpu.memory_space<vmem>>)
    %dma_wait3A_181 = arith.constant 6144 : i32
    %dma_wait3A_182 = tpu.memref_slice %arg6[%dma_wait3A_181] : memref<8192xf32, #tpu.memory_space<vmem>> -> memref<512xf32, #tpu.memory_space<vmem>>
    %dma_wait3A_183 = arith.constant 8389120 : i32
    %dma_wait3A_184 = tpu.memref_slice %arg2[%dma_wait3A_183] : memref<16777216xf32, #tpu.memory_space<hbm>> -> memref<8387712xf32, #tpu.memory_space<hbm>>
    %dma_wait3A_185 = arith.constant 0 : i32
    %dma_wait3A_186 = tpu.memref_slice %dma_wait3A_184[%dma_wait3A_185] : memref<8387712xf32, #tpu.memory_space<hbm>> -> memref<8387712xf32, #tpu.memory_space<hbm>>
    tpu.wait_indirect_dma semaphore(%arg8 : memref<!tpu.dma_semaphore, #tpu.memory_space<semaphore_mem>>) src(%dma_wait3A_186 : memref<8387712xf32, #tpu.memory_space<hbm>>) dst(%dma_wait3A_182 : memref<512xf32, #tpu.memory_space<vmem>>)
    %dma_wait3A_187 = arith.constant 6656 : i32
    %dma_wait3A_188 = tpu.memref_slice %arg6[%dma_wait3A_187] : memref<8192xf32, #tpu.memory_space<vmem>> -> memref<512xf32, #tpu.memory_space<vmem>>
    %dma_wait3A_189 = arith.constant 8389248 : i32
    %dma_wait3A_190 = tpu.memref_slice %arg2[%dma_wait3A_189] : memref<16777216xf32, #tpu.memory_space<hbm>> -> memref<8387712xf32, #tpu.memory_space<hbm>>
    %dma_wait3A_191 = arith.constant 0 : i32
    %dma_wait3A_192 = tpu.memref_slice %dma_wait3A_190[%dma_wait3A_191] : memref<8387712xf32, #tpu.memory_space<hbm>> -> memref<8387712xf32, #tpu.memory_space<hbm>>
    tpu.wait_indirect_dma semaphore(%arg8 : memref<!tpu.dma_semaphore, #tpu.memory_space<semaphore_mem>>) src(%dma_wait3A_192 : memref<8387712xf32, #tpu.memory_space<hbm>>) dst(%dma_wait3A_188 : memref<512xf32, #tpu.memory_space<vmem>>)
    %dma_wait3A_193 = arith.constant 7168 : i32
    %dma_wait3A_194 = tpu.memref_slice %arg6[%dma_wait3A_193] : memref<8192xf32, #tpu.memory_space<vmem>> -> memref<512xf32, #tpu.memory_space<vmem>>
    %dma_wait3A_195 = arith.constant 8389376 : i32
    %dma_wait3A_196 = tpu.memref_slice %arg2[%dma_wait3A_195] : memref<16777216xf32, #tpu.memory_space<hbm>> -> memref<8387712xf32, #tpu.memory_space<hbm>>
    %dma_wait3A_197 = arith.constant 0 : i32
    %dma_wait3A_198 = tpu.memref_slice %dma_wait3A_196[%dma_wait3A_197] : memref<8387712xf32, #tpu.memory_space<hbm>> -> memref<8387712xf32, #tpu.memory_space<hbm>>
    tpu.wait_indirect_dma semaphore(%arg8 : memref<!tpu.dma_semaphore, #tpu.memory_space<semaphore_mem>>) src(%dma_wait3A_198 : memref<8387712xf32, #tpu.memory_space<hbm>>) dst(%dma_wait3A_194 : memref<512xf32, #tpu.memory_space<vmem>>)
    %dma_wait3A_199 = arith.constant 7680 : i32
    %dma_wait3A_200 = tpu.memref_slice %arg6[%dma_wait3A_199] : memref<8192xf32, #tpu.memory_space<vmem>> -> memref<512xf32, #tpu.memory_space<vmem>>
    %dma_wait3A_201 = arith.constant 8389504 : i32
    %dma_wait3A_202 = tpu.memref_slice %arg2[%dma_wait3A_201] : memref<16777216xf32, #tpu.memory_space<hbm>> -> memref<8387712xf32, #tpu.memory_space<hbm>>
    %dma_wait3A_203 = arith.constant 0 : i32
    %dma_wait3A_204 = tpu.memref_slice %dma_wait3A_202[%dma_wait3A_203] : memref<8387712xf32, #tpu.memory_space<hbm>> -> memref<8387712xf32, #tpu.memory_space<hbm>>
    tpu.wait_indirect_dma semaphore(%arg8 : memref<!tpu.dma_semaphore, #tpu.memory_space<semaphore_mem>>) src(%dma_wait3A_204 : memref<8387712xf32, #tpu.memory_space<hbm>>) dst(%dma_wait3A_200 : memref<512xf32, #tpu.memory_space<vmem>>)
    %run_scoped3A_205 = arith.constant 8 : i32
    "tpu.region"() ({
      %run_scoped3A_213 = tpu.sem_alloc : memref<!tpu.dma_semaphore, #tpu.memory_space<semaphore_mem>>
      %dma_start3A_214 = arith.constant 4096 : i32
      %dma_start3A_215 = tpu.memref_slice %arg6[%dma_start3A_214] : memref<8192xf32, #tpu.memory_space<vmem>> -> memref<512xf32, #tpu.memory_space<vmem>>
      %dma_start3A_216 = tpu.memref_slice %arg4[%run_scoped3A_205, %mul3A_2] : memref<16x16384xf32, #tpu.memory_space<hbm>> -> memref<1x512xf32, #tpu.memory_space<hbm>>
      %dma_start3A_217 = tpu.memref_squeeze %dma_start3A_216 : memref<1x512xf32, #tpu.memory_space<hbm>> -> memref<512xf32, #tpu.memory_space<hbm>>
      %dma_start3A_218 = tpu.memref_slice %arg4[%run_scoped3A_205, %mul3A_2] : memref<16x16384xf32, #tpu.memory_space<hbm>> -> memref<1x512xf32, #tpu.memory_space<hbm>>
      %dma_start3A_219 = tpu.memref_squeeze %dma_start3A_218 : memref<1x512xf32, #tpu.memory_space<hbm>> -> memref<512xf32, #tpu.memory_space<hbm>>
      %dma_start3A_220 = arith.constant 4096 : i32
      %dma_start3A_221 = tpu.memref_slice %arg6[%dma_start3A_220] : memref<8192xf32, #tpu.memory_space<vmem>> -> memref<512xf32, #tpu.memory_space<vmem>>
      tpu.enqueue_dma source(%dma_start3A_221 : memref<512xf32, #tpu.memory_space<vmem>>) target(%dma_start3A_219 : memref<512xf32, #tpu.memory_space<hbm>>) target_semaphore(%run_scoped3A_213 : memref<!tpu.dma_semaphore, #tpu.memory_space<semaphore_mem>>)
      %dma_wait3A_222 = arith.constant 4096 : i32
      %dma_wait3A_223 = tpu.memref_slice %arg6[%dma_wait3A_222] : memref<8192xf32, #tpu.memory_space<vmem>> -> memref<512xf32, #tpu.memory_space<vmem>>
      %dma_wait3A_224 = tpu.memref_slice %arg4[%run_scoped3A_205, %mul3A_2] : memref<16x16384xf32, #tpu.memory_space<hbm>> -> memref<1x512xf32, #tpu.memory_space<hbm>>
      %dma_wait3A_225 = tpu.memref_squeeze %dma_wait3A_224 : memref<1x512xf32, #tpu.memory_space<hbm>> -> memref<512xf32, #tpu.memory_space<hbm>>
      %dma_wait3A_226 = tpu.memref_slice %arg4[%run_scoped3A_205, %mul3A_2] : memref<16x16384xf32, #tpu.memory_space<hbm>> -> memref<1x512xf32, #tpu.memory_space<hbm>>
      %dma_wait3A_227 = tpu.memref_squeeze %dma_wait3A_226 : memref<1x512xf32, #tpu.memory_space<hbm>> -> memref<512xf32, #tpu.memory_space<hbm>>
      %dma_wait3A_228 = arith.constant 4096 : i32
      %dma_wait3A_229 = tpu.memref_slice %arg6[%dma_wait3A_228] : memref<8192xf32, #tpu.memory_space<vmem>> -> memref<512xf32, #tpu.memory_space<vmem>>
      tpu.wait_dma2 semaphore(%run_scoped3A_213 : memref<!tpu.dma_semaphore, #tpu.memory_space<semaphore_mem>>) src(%dma_wait3A_229 : memref<512xf32, #tpu.memory_space<vmem>>) dst(%dma_wait3A_227 : memref<512xf32, #tpu.memory_space<hbm>>)
      tpu.yield
    }) : () -> ()
    %run_scoped3A_206 = arith.constant 9 : i32
    "tpu.region"() ({
      %run_scoped3A_213 = tpu.sem_alloc : memref<!tpu.dma_semaphore, #tpu.memory_space<semaphore_mem>>
      %dma_start3A_214 = arith.constant 4608 : i32
      %dma_start3A_215 = tpu.memref_slice %arg6[%dma_start3A_214] : memref<8192xf32, #tpu.memory_space<vmem>> -> memref<512xf32, #tpu.memory_space<vmem>>
      %dma_start3A_216 = tpu.memref_slice %arg4[%run_scoped3A_206, %mul3A_2] : memref<16x16384xf32, #tpu.memory_space<hbm>> -> memref<1x512xf32, #tpu.memory_space<hbm>>
      %dma_start3A_217 = tpu.memref_squeeze %dma_start3A_216 : memref<1x512xf32, #tpu.memory_space<hbm>> -> memref<512xf32, #tpu.memory_space<hbm>>
      %dma_start3A_218 = tpu.memref_slice %arg4[%run_scoped3A_206, %mul3A_2] : memref<16x16384xf32, #tpu.memory_space<hbm>> -> memref<1x512xf32, #tpu.memory_space<hbm>>
      %dma_start3A_219 = tpu.memref_squeeze %dma_start3A_218 : memref<1x512xf32, #tpu.memory_space<hbm>> -> memref<512xf32, #tpu.memory_space<hbm>>
      %dma_start3A_220 = arith.constant 4608 : i32
      %dma_start3A_221 = tpu.memref_slice %arg6[%dma_start3A_220] : memref<8192xf32, #tpu.memory_space<vmem>> -> memref<512xf32, #tpu.memory_space<vmem>>
      tpu.enqueue_dma source(%dma_start3A_221 : memref<512xf32, #tpu.memory_space<vmem>>) target(%dma_start3A_219 : memref<512xf32, #tpu.memory_space<hbm>>) target_semaphore(%run_scoped3A_213 : memref<!tpu.dma_semaphore, #tpu.memory_space<semaphore_mem>>)
      %dma_wait3A_222 = arith.constant 4608 : i32
      %dma_wait3A_223 = tpu.memref_slice %arg6[%dma_wait3A_222] : memref<8192xf32, #tpu.memory_space<vmem>> -> memref<512xf32, #tpu.memory_space<vmem>>
      %dma_wait3A_224 = tpu.memref_slice %arg4[%run_scoped3A_206, %mul3A_2] : memref<16x16384xf32, #tpu.memory_space<hbm>> -> memref<1x512xf32, #tpu.memory_space<hbm>>
      %dma_wait3A_225 = tpu.memref_squeeze %dma_wait3A_224 : memref<1x512xf32, #tpu.memory_space<hbm>> -> memref<512xf32, #tpu.memory_space<hbm>>
      %dma_wait3A_226 = tpu.memref_slice %arg4[%run_scoped3A_206, %mul3A_2] : memref<16x16384xf32, #tpu.memory_space<hbm>> -> memref<1x512xf32, #tpu.memory_space<hbm>>
      %dma_wait3A_227 = tpu.memref_squeeze %dma_wait3A_226 : memref<1x512xf32, #tpu.memory_space<hbm>> -> memref<512xf32, #tpu.memory_space<hbm>>
      %dma_wait3A_228 = arith.constant 4608 : i32
      %dma_wait3A_229 = tpu.memref_slice %arg6[%dma_wait3A_228] : memref<8192xf32, #tpu.memory_space<vmem>> -> memref<512xf32, #tpu.memory_space<vmem>>
      tpu.wait_dma2 semaphore(%run_scoped3A_213 : memref<!tpu.dma_semaphore, #tpu.memory_space<semaphore_mem>>) src(%dma_wait3A_229 : memref<512xf32, #tpu.memory_space<vmem>>) dst(%dma_wait3A_227 : memref<512xf32, #tpu.memory_space<hbm>>)
      tpu.yield
    }) : () -> ()
    %run_scoped3A_207 = arith.constant 10 : i32
    "tpu.region"() ({
      %run_scoped3A_213 = tpu.sem_alloc : memref<!tpu.dma_semaphore, #tpu.memory_space<semaphore_mem>>
      %dma_start3A_214 = arith.constant 5120 : i32
      %dma_start3A_215 = tpu.memref_slice %arg6[%dma_start3A_214] : memref<8192xf32, #tpu.memory_space<vmem>> -> memref<512xf32, #tpu.memory_space<vmem>>
      %dma_start3A_216 = tpu.memref_slice %arg4[%run_scoped3A_207, %mul3A_2] : memref<16x16384xf32, #tpu.memory_space<hbm>> -> memref<1x512xf32, #tpu.memory_space<hbm>>
      %dma_start3A_217 = tpu.memref_squeeze %dma_start3A_216 : memref<1x512xf32, #tpu.memory_space<hbm>> -> memref<512xf32, #tpu.memory_space<hbm>>
      %dma_start3A_218 = tpu.memref_slice %arg4[%run_scoped3A_207, %mul3A_2] : memref<16x16384xf32, #tpu.memory_space<hbm>> -> memref<1x512xf32, #tpu.memory_space<hbm>>
      %dma_start3A_219 = tpu.memref_squeeze %dma_start3A_218 : memref<1x512xf32, #tpu.memory_space<hbm>> -> memref<512xf32, #tpu.memory_space<hbm>>
      %dma_start3A_220 = arith.constant 5120 : i32
      %dma_start3A_221 = tpu.memref_slice %arg6[%dma_start3A_220] : memref<8192xf32, #tpu.memory_space<vmem>> -> memref<512xf32, #tpu.memory_space<vmem>>
      tpu.enqueue_dma source(%dma_start3A_221 : memref<512xf32, #tpu.memory_space<vmem>>) target(%dma_start3A_219 : memref<512xf32, #tpu.memory_space<hbm>>) target_semaphore(%run_scoped3A_213 : memref<!tpu.dma_semaphore, #tpu.memory_space<semaphore_mem>>)
      %dma_wait3A_222 = arith.constant 5120 : i32
      %dma_wait3A_223 = tpu.memref_slice %arg6[%dma_wait3A_222] : memref<8192xf32, #tpu.memory_space<vmem>> -> memref<512xf32, #tpu.memory_space<vmem>>
      %dma_wait3A_224 = tpu.memref_slice %arg4[%run_scoped3A_207, %mul3A_2] : memref<16x16384xf32, #tpu.memory_space<hbm>> -> memref<1x512xf32, #tpu.memory_space<hbm>>
      %dma_wait3A_225 = tpu.memref_squeeze %dma_wait3A_224 : memref<1x512xf32, #tpu.memory_space<hbm>> -> memref<512xf32, #tpu.memory_space<hbm>>
      %dma_wait3A_226 = tpu.memref_slice %arg4[%run_scoped3A_207, %mul3A_2] : memref<16x16384xf32, #tpu.memory_space<hbm>> -> memref<1x512xf32, #tpu.memory_space<hbm>>
      %dma_wait3A_227 = tpu.memref_squeeze %dma_wait3A_226 : memref<1x512xf32, #tpu.memory_space<hbm>> -> memref<512xf32, #tpu.memory_space<hbm>>
      %dma_wait3A_228 = arith.constant 5120 : i32
      %dma_wait3A_229 = tpu.memref_slice %arg6[%dma_wait3A_228] : memref<8192xf32, #tpu.memory_space<vmem>> -> memref<512xf32, #tpu.memory_space<vmem>>
      tpu.wait_dma2 semaphore(%run_scoped3A_213 : memref<!tpu.dma_semaphore, #tpu.memory_space<semaphore_mem>>) src(%dma_wait3A_229 : memref<512xf32, #tpu.memory_space<vmem>>) dst(%dma_wait3A_227 : memref<512xf32, #tpu.memory_space<hbm>>)
      tpu.yield
    }) : () -> ()
    %run_scoped3A_208 = arith.constant 11 : i32
    "tpu.region"() ({
      %run_scoped3A_213 = tpu.sem_alloc : memref<!tpu.dma_semaphore, #tpu.memory_space<semaphore_mem>>
      %dma_start3A_214 = arith.constant 5632 : i32
      %dma_start3A_215 = tpu.memref_slice %arg6[%dma_start3A_214] : memref<8192xf32, #tpu.memory_space<vmem>> -> memref<512xf32, #tpu.memory_space<vmem>>
      %dma_start3A_216 = tpu.memref_slice %arg4[%run_scoped3A_208, %mul3A_2] : memref<16x16384xf32, #tpu.memory_space<hbm>> -> memref<1x512xf32, #tpu.memory_space<hbm>>
      %dma_start3A_217 = tpu.memref_squeeze %dma_start3A_216 : memref<1x512xf32, #tpu.memory_space<hbm>> -> memref<512xf32, #tpu.memory_space<hbm>>
      %dma_start3A_218 = tpu.memref_slice %arg4[%run_scoped3A_208, %mul3A_2] : memref<16x16384xf32, #tpu.memory_space<hbm>> -> memref<1x512xf32, #tpu.memory_space<hbm>>
      %dma_start3A_219 = tpu.memref_squeeze %dma_start3A_218 : memref<1x512xf32, #tpu.memory_space<hbm>> -> memref<512xf32, #tpu.memory_space<hbm>>
      %dma_start3A_220 = arith.constant 5632 : i32
      %dma_start3A_221 = tpu.memref_slice %arg6[%dma_start3A_220] : memref<8192xf32, #tpu.memory_space<vmem>> -> memref<512xf32, #tpu.memory_space<vmem>>
      tpu.enqueue_dma source(%dma_start3A_221 : memref<512xf32, #tpu.memory_space<vmem>>) target(%dma_start3A_219 : memref<512xf32, #tpu.memory_space<hbm>>) target_semaphore(%run_scoped3A_213 : memref<!tpu.dma_semaphore, #tpu.memory_space<semaphore_mem>>)
      %dma_wait3A_222 = arith.constant 5632 : i32
      %dma_wait3A_223 = tpu.memref_slice %arg6[%dma_wait3A_222] : memref<8192xf32, #tpu.memory_space<vmem>> -> memref<512xf32, #tpu.memory_space<vmem>>
      %dma_wait3A_224 = tpu.memref_slice %arg4[%run_scoped3A_208, %mul3A_2] : memref<16x16384xf32, #tpu.memory_space<hbm>> -> memref<1x512xf32, #tpu.memory_space<hbm>>
      %dma_wait3A_225 = tpu.memref_squeeze %dma_wait3A_224 : memref<1x512xf32, #tpu.memory_space<hbm>> -> memref<512xf32, #tpu.memory_space<hbm>>
      %dma_wait3A_226 = tpu.memref_slice %arg4[%run_scoped3A_208, %mul3A_2] : memref<16x16384xf32, #tpu.memory_space<hbm>> -> memref<1x512xf32, #tpu.memory_space<hbm>>
      %dma_wait3A_227 = tpu.memref_squeeze %dma_wait3A_226 : memref<1x512xf32, #tpu.memory_space<hbm>> -> memref<512xf32, #tpu.memory_space<hbm>>
      %dma_wait3A_228 = arith.constant 5632 : i32
      %dma_wait3A_229 = tpu.memref_slice %arg6[%dma_wait3A_228] : memref<8192xf32, #tpu.memory_space<vmem>> -> memref<512xf32, #tpu.memory_space<vmem>>
      tpu.wait_dma2 semaphore(%run_scoped3A_213 : memref<!tpu.dma_semaphore, #tpu.memory_space<semaphore_mem>>) src(%dma_wait3A_229 : memref<512xf32, #tpu.memory_space<vmem>>) dst(%dma_wait3A_227 : memref<512xf32, #tpu.memory_space<hbm>>)
      tpu.yield
    }) : () -> ()
    %run_scoped3A_209 = arith.constant 12 : i32
    "tpu.region"() ({
      %run_scoped3A_213 = tpu.sem_alloc : memref<!tpu.dma_semaphore, #tpu.memory_space<semaphore_mem>>
      %dma_start3A_214 = arith.constant 6144 : i32
      %dma_start3A_215 = tpu.memref_slice %arg6[%dma_start3A_214] : memref<8192xf32, #tpu.memory_space<vmem>> -> memref<512xf32, #tpu.memory_space<vmem>>
      %dma_start3A_216 = tpu.memref_slice %arg4[%run_scoped3A_209, %mul3A_2] : memref<16x16384xf32, #tpu.memory_space<hbm>> -> memref<1x512xf32, #tpu.memory_space<hbm>>
      %dma_start3A_217 = tpu.memref_squeeze %dma_start3A_216 : memref<1x512xf32, #tpu.memory_space<hbm>> -> memref<512xf32, #tpu.memory_space<hbm>>
      %dma_start3A_218 = tpu.memref_slice %arg4[%run_scoped3A_209, %mul3A_2] : memref<16x16384xf32, #tpu.memory_space<hbm>> -> memref<1x512xf32, #tpu.memory_space<hbm>>
      %dma_start3A_219 = tpu.memref_squeeze %dma_start3A_218 : memref<1x512xf32, #tpu.memory_space<hbm>> -> memref<512xf32, #tpu.memory_space<hbm>>
      %dma_start3A_220 = arith.constant 6144 : i32
      %dma_start3A_221 = tpu.memref_slice %arg6[%dma_start3A_220] : memref<8192xf32, #tpu.memory_space<vmem>> -> memref<512xf32, #tpu.memory_space<vmem>>
      tpu.enqueue_dma source(%dma_start3A_221 : memref<512xf32, #tpu.memory_space<vmem>>) target(%dma_start3A_219 : memref<512xf32, #tpu.memory_space<hbm>>) target_semaphore(%run_scoped3A_213 : memref<!tpu.dma_semaphore, #tpu.memory_space<semaphore_mem>>)
      %dma_wait3A_222 = arith.constant 6144 : i32
      %dma_wait3A_223 = tpu.memref_slice %arg6[%dma_wait3A_222] : memref<8192xf32, #tpu.memory_space<vmem>> -> memref<512xf32, #tpu.memory_space<vmem>>
      %dma_wait3A_224 = tpu.memref_slice %arg4[%run_scoped3A_209, %mul3A_2] : memref<16x16384xf32, #tpu.memory_space<hbm>> -> memref<1x512xf32, #tpu.memory_space<hbm>>
      %dma_wait3A_225 = tpu.memref_squeeze %dma_wait3A_224 : memref<1x512xf32, #tpu.memory_space<hbm>> -> memref<512xf32, #tpu.memory_space<hbm>>
      %dma_wait3A_226 = tpu.memref_slice %arg4[%run_scoped3A_209, %mul3A_2] : memref<16x16384xf32, #tpu.memory_space<hbm>> -> memref<1x512xf32, #tpu.memory_space<hbm>>
      %dma_wait3A_227 = tpu.memref_squeeze %dma_wait3A_226 : memref<1x512xf32, #tpu.memory_space<hbm>> -> memref<512xf32, #tpu.memory_space<hbm>>
      %dma_wait3A_228 = arith.constant 6144 : i32
      %dma_wait3A_229 = tpu.memref_slice %arg6[%dma_wait3A_228] : memref<8192xf32, #tpu.memory_space<vmem>> -> memref<512xf32, #tpu.memory_space<vmem>>
      tpu.wait_dma2 semaphore(%run_scoped3A_213 : memref<!tpu.dma_semaphore, #tpu.memory_space<semaphore_mem>>) src(%dma_wait3A_229 : memref<512xf32, #tpu.memory_space<vmem>>) dst(%dma_wait3A_227 : memref<512xf32, #tpu.memory_space<hbm>>)
      tpu.yield
    }) : () -> ()
    %run_scoped3A_210 = arith.constant 13 : i32
    "tpu.region"() ({
      %run_scoped3A_213 = tpu.sem_alloc : memref<!tpu.dma_semaphore, #tpu.memory_space<semaphore_mem>>
      %dma_start3A_214 = arith.constant 6656 : i32
      %dma_start3A_215 = tpu.memref_slice %arg6[%dma_start3A_214] : memref<8192xf32, #tpu.memory_space<vmem>> -> memref<512xf32, #tpu.memory_space<vmem>>
      %dma_start3A_216 = tpu.memref_slice %arg4[%run_scoped3A_210, %mul3A_2] : memref<16x16384xf32, #tpu.memory_space<hbm>> -> memref<1x512xf32, #tpu.memory_space<hbm>>
      %dma_start3A_217 = tpu.memref_squeeze %dma_start3A_216 : memref<1x512xf32, #tpu.memory_space<hbm>> -> memref<512xf32, #tpu.memory_space<hbm>>
      %dma_start3A_218 = tpu.memref_slice %arg4[%run_scoped3A_210, %mul3A_2] : memref<16x16384xf32, #tpu.memory_space<hbm>> -> memref<1x512xf32, #tpu.memory_space<hbm>>
      %dma_start3A_219 = tpu.memref_squeeze %dma_start3A_218 : memref<1x512xf32, #tpu.memory_space<hbm>> -> memref<512xf32, #tpu.memory_space<hbm>>
      %dma_start3A_220 = arith.constant 6656 : i32
      %dma_start3A_221 = tpu.memref_slice %arg6[%dma_start3A_220] : memref<8192xf32, #tpu.memory_space<vmem>> -> memref<512xf32, #tpu.memory_space<vmem>>
      tpu.enqueue_dma source(%dma_start3A_221 : memref<512xf32, #tpu.memory_space<vmem>>) target(%dma_start3A_219 : memref<512xf32, #tpu.memory_space<hbm>>) target_semaphore(%run_scoped3A_213 : memref<!tpu.dma_semaphore, #tpu.memory_space<semaphore_mem>>)
      %dma_wait3A_222 = arith.constant 6656 : i32
      %dma_wait3A_223 = tpu.memref_slice %arg6[%dma_wait3A_222] : memref<8192xf32, #tpu.memory_space<vmem>> -> memref<512xf32, #tpu.memory_space<vmem>>
      %dma_wait3A_224 = tpu.memref_slice %arg4[%run_scoped3A_210, %mul3A_2] : memref<16x16384xf32, #tpu.memory_space<hbm>> -> memref<1x512xf32, #tpu.memory_space<hbm>>
      %dma_wait3A_225 = tpu.memref_squeeze %dma_wait3A_224 : memref<1x512xf32, #tpu.memory_space<hbm>> -> memref<512xf32, #tpu.memory_space<hbm>>
      %dma_wait3A_226 = tpu.memref_slice %arg4[%run_scoped3A_210, %mul3A_2] : memref<16x16384xf32, #tpu.memory_space<hbm>> -> memref<1x512xf32, #tpu.memory_space<hbm>>
      %dma_wait3A_227 = tpu.memref_squeeze %dma_wait3A_226 : memref<1x512xf32, #tpu.memory_space<hbm>> -> memref<512xf32, #tpu.memory_space<hbm>>
      %dma_wait3A_228 = arith.constant 6656 : i32
      %dma_wait3A_229 = tpu.memref_slice %arg6[%dma_wait3A_228] : memref<8192xf32, #tpu.memory_space<vmem>> -> memref<512xf32, #tpu.memory_space<vmem>>
      tpu.wait_dma2 semaphore(%run_scoped3A_213 : memref<!tpu.dma_semaphore, #tpu.memory_space<semaphore_mem>>) src(%dma_wait3A_229 : memref<512xf32, #tpu.memory_space<vmem>>) dst(%dma_wait3A_227 : memref<512xf32, #tpu.memory_space<hbm>>)
      tpu.yield
    }) : () -> ()
    %run_scoped3A_211 = arith.constant 14 : i32
    "tpu.region"() ({
      %run_scoped3A_213 = tpu.sem_alloc : memref<!tpu.dma_semaphore, #tpu.memory_space<semaphore_mem>>
      %dma_start3A_214 = arith.constant 7168 : i32
      %dma_start3A_215 = tpu.memref_slice %arg6[%dma_start3A_214] : memref<8192xf32, #tpu.memory_space<vmem>> -> memref<512xf32, #tpu.memory_space<vmem>>
      %dma_start3A_216 = tpu.memref_slice %arg4[%run_scoped3A_211, %mul3A_2] : memref<16x16384xf32, #tpu.memory_space<hbm>> -> memref<1x512xf32, #tpu.memory_space<hbm>>
      %dma_start3A_217 = tpu.memref_squeeze %dma_start3A_216 : memref<1x512xf32, #tpu.memory_space<hbm>> -> memref<512xf32, #tpu.memory_space<hbm>>
      %dma_start3A_218 = tpu.memref_slice %arg4[%run_scoped3A_211, %mul3A_2] : memref<16x16384xf32, #tpu.memory_space<hbm>> -> memref<1x512xf32, #tpu.memory_space<hbm>>
      %dma_start3A_219 = tpu.memref_squeeze %dma_start3A_218 : memref<1x512xf32, #tpu.memory_space<hbm>> -> memref<512xf32, #tpu.memory_space<hbm>>
      %dma_start3A_220 = arith.constant 7168 : i32
      %dma_start3A_221 = tpu.memref_slice %arg6[%dma_start3A_220] : memref<8192xf32, #tpu.memory_space<vmem>> -> memref<512xf32, #tpu.memory_space<vmem>>
      tpu.enqueue_dma source(%dma_start3A_221 : memref<512xf32, #tpu.memory_space<vmem>>) target(%dma_start3A_219 : memref<512xf32, #tpu.memory_space<hbm>>) target_semaphore(%run_scoped3A_213 : memref<!tpu.dma_semaphore, #tpu.memory_space<semaphore_mem>>)
      %dma_wait3A_222 = arith.constant 7168 : i32
      %dma_wait3A_223 = tpu.memref_slice %arg6[%dma_wait3A_222] : memref<8192xf32, #tpu.memory_space<vmem>> -> memref<512xf32, #tpu.memory_space<vmem>>
      %dma_wait3A_224 = tpu.memref_slice %arg4[%run_scoped3A_211, %mul3A_2] : memref<16x16384xf32, #tpu.memory_space<hbm>> -> memref<1x512xf32, #tpu.memory_space<hbm>>
      %dma_wait3A_225 = tpu.memref_squeeze %dma_wait3A_224 : memref<1x512xf32, #tpu.memory_space<hbm>> -> memref<512xf32, #tpu.memory_space<hbm>>
      %dma_wait3A_226 = tpu.memref_slice %arg4[%run_scoped3A_211, %mul3A_2] : memref<16x16384xf32, #tpu.memory_space<hbm>> -> memref<1x512xf32, #tpu.memory_space<hbm>>
      %dma_wait3A_227 = tpu.memref_squeeze %dma_wait3A_226 : memref<1x512xf32, #tpu.memory_space<hbm>> -> memref<512xf32, #tpu.memory_space<hbm>>
      %dma_wait3A_228 = arith.constant 7168 : i32
      %dma_wait3A_229 = tpu.memref_slice %arg6[%dma_wait3A_228] : memref<8192xf32, #tpu.memory_space<vmem>> -> memref<512xf32, #tpu.memory_space<vmem>>
      tpu.wait_dma2 semaphore(%run_scoped3A_213 : memref<!tpu.dma_semaphore, #tpu.memory_space<semaphore_mem>>) src(%dma_wait3A_229 : memref<512xf32, #tpu.memory_space<vmem>>) dst(%dma_wait3A_227 : memref<512xf32, #tpu.memory_space<hbm>>)
      tpu.yield
    }) : () -> ()
    %run_scoped3A_212 = arith.constant 15 : i32
    "tpu.region"() ({
      %run_scoped3A_213 = tpu.sem_alloc : memref<!tpu.dma_semaphore, #tpu.memory_space<semaphore_mem>>
      %dma_start3A_214 = arith.constant 7680 : i32
      %dma_start3A_215 = tpu.memref_slice %arg6[%dma_start3A_214] : memref<8192xf32, #tpu.memory_space<vmem>> -> memref<512xf32, #tpu.memory_space<vmem>>
      %dma_start3A_216 = tpu.memref_slice %arg4[%run_scoped3A_212, %mul3A_2] : memref<16x16384xf32, #tpu.memory_space<hbm>> -> memref<1x512xf32, #tpu.memory_space<hbm>>
      %dma_start3A_217 = tpu.memref_squeeze %dma_start3A_216 : memref<1x512xf32, #tpu.memory_space<hbm>> -> memref<512xf32, #tpu.memory_space<hbm>>
      %dma_start3A_218 = tpu.memref_slice %arg4[%run_scoped3A_212, %mul3A_2] : memref<16x16384xf32, #tpu.memory_space<hbm>> -> memref<1x512xf32, #tpu.memory_space<hbm>>
      %dma_start3A_219 = tpu.memref_squeeze %dma_start3A_218 : memref<1x512xf32, #tpu.memory_space<hbm>> -> memref<512xf32, #tpu.memory_space<hbm>>
      %dma_start3A_220 = arith.constant 7680 : i32
      %dma_start3A_221 = tpu.memref_slice %arg6[%dma_start3A_220] : memref<8192xf32, #tpu.memory_space<vmem>> -> memref<512xf32, #tpu.memory_space<vmem>>
      tpu.enqueue_dma source(%dma_start3A_221 : memref<512xf32, #tpu.memory_space<vmem>>) target(%dma_start3A_219 : memref<512xf32, #tpu.memory_space<hbm>>) target_semaphore(%run_scoped3A_213 : memref<!tpu.dma_semaphore, #tpu.memory_space<semaphore_mem>>)
      %dma_wait3A_222 = arith.constant 7680 : i32
      %dma_wait3A_223 = tpu.memref_slice %arg6[%dma_wait3A_222] : memref<8192xf32, #tpu.memory_space<vmem>> -> memref<512xf32, #tpu.memory_space<vmem>>
      %dma_wait3A_224 = tpu.memref_slice %arg4[%run_scoped3A_212, %mul3A_2] : memref<16x16384xf32, #tpu.memory_space<hbm>> -> memref<1x512xf32, #tpu.memory_space<hbm>>
      %dma_wait3A_225 = tpu.memref_squeeze %dma_wait3A_224 : memref<1x512xf32, #tpu.memory_space<hbm>> -> memref<512xf32, #tpu.memory_space<hbm>>
      %dma_wait3A_226 = tpu.memref_slice %arg4[%run_scoped3A_212, %mul3A_2] : memref<16x16384xf32, #tpu.memory_space<hbm>> -> memref<1x512xf32, #tpu.memory_space<hbm>>
      %dma_wait3A_227 = tpu.memref_squeeze %dma_wait3A_226 : memref<1x512xf32, #tpu.memory_space<hbm>> -> memref<512xf32, #tpu.memory_space<hbm>>
      %dma_wait3A_228 = arith.constant 7680 : i32
      %dma_wait3A_229 = tpu.memref_slice %arg6[%dma_wait3A_228] : memref<8192xf32, #tpu.memory_space<vmem>> -> memref<512xf32, #tpu.memory_space<vmem>>
      tpu.wait_dma2 semaphore(%run_scoped3A_213 : memref<!tpu.dma_semaphore, #tpu.memory_space<semaphore_mem>>) src(%dma_wait3A_229 : memref<512xf32, #tpu.memory_space<vmem>>) dst(%dma_wait3A_227 : memref<512xf32, #tpu.memory_space<hbm>>)
      tpu.yield
    }) : () -> ()
    return
  }
}

</mosaic_0001>

<sc_bundles>
// kernel: kernel.3.cloned.1.call-start
scs
__scs_entry_jumppad:
0x0: {  	(pc) =	sbr.rel $0x88, $3  }
0x1: {  	(tag) =	ssettag $0x0;
	lr =	simm.s32 $0x1  }
0x2: {  	[smem:$0x3F9F] =	sst lr;
	_ =	strace $0xD0000000  }
0x3: {  	_ = 	snop  }
0x4: {  	_ = 	snop  }
0x5: {  	_ = 	snop  }
0x6: {  	_ = 	snop  }
0x7: {  	_ = 	snop  }
__scs_overlays_trampoline_lowered:
0x8: {  	[smem:$0x3FAE] =	sst s0  }
0x9: {  	[smem:$0x3FAF] =	sst s1  }
0xa: {  	[smem:$0x3FB0] =	sst s2  }
0xb: {  	[smem:$0x3FB1] =	sst s3  }
0xc: {  	[smem:$0x3FB2] =	sst s4  }
0xd: {  	[smem:$0x3FB3] =	sst s5  }
0xe: {  	[smem:$0x3FB4] =	sst s6  }
0xf: {  	[smem:$0x3FB5] =	sst s7  }
0x10: {  	[smem:$0x3FB6] =	sst s8  }
0x11: {  	[smem:$0x3FB7] =	sst s9;
	s0 =	simm.s32 @!p0 $0x0  }
0x12: {  	s1 =	sld [smem:$0x3F9D];
	s0 =	simm.s32 @p0 $0x1  }
0x13: {  	[smem:$0x3FB8] =	sst s0;
	s0 =	simm.s32 @!p1 $0x0  }
0x14: {  	s2 =	sld [smem:$0x3F9C];
	s0 =	simm.s32 @p1 $0x1  }
0x15: {  	[smem:$0x3FB9] =	sst s0;
	s0 =	simm.s32 @!p2 $0x0  }
0x16: {  	s3 =	sld [smem:$0x3FDB];
	s0 =	simm.s32 @p2 $0x1  }
0x17: {  	s4 =	simm.s32 $0x1BF5;
	[smem:$0x3FBB] =	sst s0  }
0x18: {  	s0 =	sld [smem:$0x3F9E];
	_ =	swait.ge [sflag:s4], $0x0  }
0x19: {  	s7 =	sld [smem:$0x3F9F]  }
0x1a: {  	s8 =	sadd.s32 $0xFFFFE003, lr  }
0x1b: {  	s9 =	sadd.s32 $0xFFFFFEF7, lr;
	s5 =	simm.s32 $0xFFFFFFFF;
	p2 =	slt.u32 s8, $0xFFFFF086  }
0x1c: {  	p1 =	slt.u32 s9, $0xF7A;
	s5 =	simm.s32 @!p2 $0x0  }
0x1d: {  	s5 =	simm.s32 @p1 $0x1;
	p0 =	seq.s32 s7, s2  }
0x1e: {  	s7 =	smul.u32 @!p0 $0xF7A, s2;
	p2 =	seq.s32 @!p0 s5, $0x0  }
0x1f: {  	s9 =	smul.u32 $0xF7A, s1;
	s8 =	simm.s32 @!p0 $0x1BF5;
	p2 =	por !p2, p0  }
0x20: {  	[sflag:s8] =	ssyncset.s32 @!p0 $0xFFFFF086;
	s6 =	sadd.s32 @!p0 s3, s7;
	s7 =	simm.s32 @!p0 $0x108  }
0x21: {  	s3 =	sadd.s32 s3, s9;
	s6 =	sadd.s32 @!p0 $0x88, s6;
	s7 =	simm.s32 @p2 $0x1082  }
0x22: {  	[simem:s7], [sflag:s8] =	dma.local @!p0 [hbm:s6], $0xF7A  }
0x23: {  	s9 =	sor.u32 $0xD0000000, s2;
	s6 =	simm.s32 $0x108;
	_ =	swait.ge @!p0 [sflag:s8], $0x0  }
0x24: {  	s3 =	sadd.s32 $0x88, s3;
	s6 =	simm.s32 @!p1 $0x1082;
	[sflag:s4] =	ssyncset.s32 $0xFFFFF086  }
0x25: {  	[simem:s6], [sflag:s4] =	dma.local [hbm:s3], $0xF7A  }
0x26: {  	[smem:$0x3F9F] =	sst s1;
	(tag) =	ssettag s2;
	_ =	strace s9  }
0x27: {  	s1 =	sld [smem:$0x3FAF]  }
0x28: {  	s2 =	sld [smem:$0x3FB0]  }
0x29: {  	s4 =	sld [smem:$0x3FB2]  }
0x2a: {  	p0 =	seq.s32 s5, $0x0;
	s5 =	sld [smem:$0x3FB3]  }
0x2b: {  	s6 =	sld [smem:$0x3FB4]  }
0x2c: {  	s7 =	sld [smem:$0x3FB5]  }
0x2d: {  	s3 =	simm.s32 $0x108;
	s8 =	sld [smem:$0x3FB6]  }
0x2e: {  	s3 =	simm.s32 @!p0 $0x1082;
	s9 =	sld [smem:$0x3FB7]  }
0x2f: {  	lr =	sadd.s32 s0, s3;
	s0 =	sld [smem:$0x3FAE]  }
0x30: {  	s3 =	sld [smem:$0x3FB1]  }
0x31: {  	[smem:$0x3FBA] =	sst s10  }
0x32: {  	s10 =	sld [smem:$0x3FB8];
	_ =	sdelay $0x3  }
0x33: {  	p0 =	seq.s32 s10, $0x1;
	s10 =	sld [smem:$0x3FBA];
	_ =	sdelay $0x3  }
0x34: {  	[smem:$0x3FBA] =	sst s10  }
0x35: {  	s10 =	sld [smem:$0x3FB9];
	_ =	sdelay $0x3  }
0x36: {  	p1 =	seq.s32 s10, $0x1;
	s10 =	sld [smem:$0x3FBA];
	_ =	sdelay $0x3  }
0x37: {  	[smem:$0x3FBA] =	sst s10  }
0x38: {  	s10 =	sld [smem:$0x3FBB]  }
0x39: {  	_ = 	snop;
	(pc) =	sbr.ind lr, $3  }
0x3a: {  	_ = 	snop  }
0x3b: {  	_ = 	snop  }
0x3c: {  	p2 =	seq.s32 s10, $0x1;
	s10 =	sld [smem:$0x3FBA]  }
0x3d: {  	_ =	shalt  }
0x3e: {  	_ =	shalt  }
0x3f: {  	_ =	shalt  }
0x40: {  	_ =	shalt  }
0x41: {  	_ =	shalt  }
0x42: {  	_ =	shalt  }
0x43: {  	_ =	shalt  }
0x44: {  	_ =	shalt  }
0x45: {  	_ =	shalt  }
0x46: {  	_ =	shalt  }
0x47: {  	_ =	shalt  }
0x48: {  	_ =	shalt  }
0x49: {  	_ =	shalt  }
0x4a: {  	_ =	shalt  }
0x4b: {  	_ =	shalt  }
0x4c: {  	_ =	shalt  }
0x4d: {  	_ =	shalt  }
0x4e: {  	_ =	shalt  }
0x4f: {  	_ =	shalt  }
0x50: {  	_ =	shalt  }
0x51: {  	_ =	shalt  }
0x52: {  	_ =	shalt  }
0x53: {  	_ =	shalt  }
0x54: {  	_ =	shalt  }
0x55: {  	_ =	shalt  }
0x56: {  	_ =	shalt  }
0x57: {  	_ =	shalt  }
0x58: {  	_ =	shalt  }
0x59: {  	_ =	shalt  }
0x5a: {  	_ =	shalt  }
0x5b: {  	_ =	shalt  }
0x5c: {  	_ =	shalt  }
0x5d: {  	_ =	shalt  }
0x5e: {  	_ =	shalt  }
0x5f: {  	_ =	shalt  }
0x60: {  	_ =	shalt  }
0x61: {  	_ =	shalt  }
0x62: {  	_ =	shalt  }
0x63: {  	_ =	shalt  }
0x64: {  	_ =	shalt  }
0x65: {  	_ =	shalt  }
0x66: {  	_ =	shalt  }
0x67: {  	_ =	shalt  }
0x68: {  	_ =	shalt  }
0x69: {  	_ =	shalt  }
0x6a: {  	_ =	shalt  }
0x6b: {  	_ =	shalt  }
0x6c: {  	_ =	shalt  }
0x6d: {  	_ =	shalt  }
0x6e: {  	_ =	shalt  }
0x6f: {  	_ =	shalt  }
0x70: {  	_ =	shalt  }
0x71: {  	_ =	shalt  }
0x72: {  	_ =	shalt  }
0x73: {  	_ =	shalt  }
0x74: {  	_ =	shalt  }
0x75: {  	_ =	shalt  }
0x76: {  	_ =	shalt  }
0x77: {  	_ =	shalt  }
0x78: {  	_ =	shalt  }
0x79: {  	_ =	shalt  }
0x7a: {  	_ =	shalt  }
0x7b: {  	_ =	shalt  }
0x7c: {  	_ =	shalt  }
0x7d: {  	_ =	shalt  }
0x7e: {  	_ =	shalt  }
0x7f: {  	_ =	shalt  }
0x80: {  	_ =	shalt  }
0x81: {  	_ =	shalt  }
0x82: {  	_ =	shalt  }
0x83: {  	_ =	shalt  }
0x84: {  	_ =	shalt  }
0x85: {  	_ =	shalt  }
0x86: {  	_ =	shalt  }
0x87: {  	_ =	shalt  }
.Lfunc_end0:
.L_simem_size_0:
called_computation_lowered:
.L_overlay_start_0:
0x88: {  	s2 =	sld [smem:$0x3FD9]  }
0x89: {  	s3 =	sld [smem:$0x3FFE];
	_ =	sdelay $0x1  }
0x8a: {  	s1 =	srdreg.scid  }
0x8b: {  	s0 =	sand.u32 $0x1, s1  }
0x8c: {  	s18 =	sshll.u32 s0, $0xA;
	s2 =	sadd.s32 s3, s2  }
0x8d: {  	s2 =	sadd.s32 s2, s18  }
0x8e: {  	[smem:$0x3FC6] =	sst s2  }
0x8f: {  	_ = 	snop  }
0x90: {  	s2 =	sld [smem:$0x3FC9]  }
0x91: {  	s19 =	sld [smem:$0x3FC8]  }
0x92: {  	s4 =	sld [smem:$0x3FD0];
	(tm) =	ssettm $0x1  }
0x93: {  	s5 =	sld [smem:$0x3FFB];
	_ =	sdelay $0x3  }
0x94: {  	_ =	strace s5  }
0x95: {  	s5 =	sld [smem:$0x3FFC];
	_ =	sdelay $0x3  }
0x96: {  	_ =	strace s5  }
0x97: {  	s5 =	sld [smem:$0x3FFD];
	_ =	sdelay $0x3  }
0x98: {  	_ =	strace s5  }
0x99: {  	_ =	strace $0x8FFFFFFF  }
0x9a: {  	s20 =	sld [smem:$0x3FDB];
	_ =	sdelay $0x1  }
0x9b: {  	s6 =	simm.s32 $_scs_section_size  }
0x9c: {  	s7 =	simm.s32 $_size__tile_overlayer_lowered;
	s8 =	simm.s32 $_tile_overlayer_lowered  }
0x9d: {  	s23 =	simm.s32 $0x1BFF;
	s22 =	sshll.u32 s8, $0x1;
	s5 =	sadd.s32 s6, s20  }
0x9e: {  	s9 =	simm.s32 $0x0;
	s21 =	sshll.u32 s7, $0x1;
	s7 =	sadd.s32 s22, s5  }
0x9f: {  	[timem:s9], [sflag:s23] =	dma.local [hbm:s7], s21  }
0xa0: {  	_ =	swait.ge [sflag:s23], s21  }
0xa1: {  	s6 =	ssub.s32 $0x0, s21;
	[sflag:s23] =	ssyncset.done $0x0  }
0xa2: {  	[sflag:s23] =	ssyncadd.s32 s6;
	_ =	sdelay $0x1  }
0xa3: {  	s24 =	simm.s32 $0x1B8B  }
0xa4: {  	_ =	swait.ge [sflag:s24], $0x1  }
0xa5: {  	[sflag:s24] =	ssyncset.done $0x0  }
0xa6: {  	s25 =	simm.s32 $0x1B8E;
	[sflag:s24] =	ssyncadd.s32 $0xFFFFFFFF  }
0xa7: {  	s26 =	simm.s32 $execute0_lowered;
	[smem:$0x3FD2] =	sst s25  }
0xa8: {  	s6 =	sshll.u32 s26, $0x1;
	_ =	strace $0x80000046;
	[dreg:$0x1] =	wrdreg $0xFFFFFFFF  }
0xa9: {  	s28 =	simm.s32 $_size_execute0_lowered;
	s5 =	sadd.s32 s5, s6;
	[dreg:$0x0] =	wrdreg $0x0  }
0xaa: {  	s6 =	sshll.u32 s28, $0x1;
	[dreg:$0x2] =	wrdreg s5  }
0xab: {  	[dreg:$0x3] =	wrdreg s6  }
0xac: {  	[dreg:$0x4] =	wrdreg $0xC0  }
0xad: {  	_ =	task [dreg:s9], $0x5FFFF  }
0xae: {  	[dreg:$0x1] =	wrdreg $0xFFFFFFFF  }
0xaf: {  	[dreg:$0x0] =	wrdreg $0x60  }
0xb0: {  	[dreg:$0x2] =	wrdreg s19  }
0xb1: {  	[dreg:$0x3] =	wrdreg s2  }
0xb2: {  	[dreg:$0x4] =	wrdreg s4  }
0xb3: {  	[dreg:$0x5] =	wrdreg $0x9  }
0xb4: {  	_ =	task.clear_ibuf [dreg:s9], $0x6FFFF;
	_ =	strace $0x90000046  }
0xb5: {  	s29 =	simm.s32 $0x9;
	_ =	strace $0x80000048  }
0xb6: {  	_ =	swait.ge [sflag:s29], $0x1  }
0xb7: {  	[sflag:s29] =	ssyncadd.s32 $0xFFFFFFFF  }
0xb8: {  	_ =	strace $0x90000048  }
0xb9: {  	_ =	sfence  }
0xba: {  	s30 =	sld [smem:$0x0];
	_ =	sdelay $0x2  }
0xbb: {  	s31 =	sshll.u32 s1, $0xD;
	s1 =	sshrl.u32 s1, $0x2  }
0xbc: {  	s3 =	sand.u32 $0x4000, s31;
	s1 =	sadd.s32 s1, s30  }
0xbd: {  	s0 =	sor.u32 s3, s0;
	s1 =	sshll.u32 s1, $0x11  }
0xbe: {  	s0 =	sor.u32 s1, s0  }
0xbf: {  	s0 =	sadd.s32 $0x8F2B, s0  }
0xc0: {  	[sflag:s0] =	ssyncadd.remote.s32 $0x1  }
0xc1: {  	_ =	sfence.sel $0xFFFF  }
0xc2: {  	[dreg:$0x0] =	wrdreg $0xFFFFFFFF;
	(pc) =	sbr.abs _section_cstart, $3  }
0xc3: {  	[dreg:$0x1] =	wrdreg $0xFFFFFFFF  }
0xc4: {  	_ =	task.clear_ibuf [dreg:s9], $0x2FFFF;
	_ =	strace $0x9FFFFFFF  }
0xc5: {  	(tm) =	ssettm $0x7FFFFFFF  }
tec
execute0_lowered:
.L_overlay_start_1:
0x0: {  	(tag) =	ssettag $0x1  }
0x1: {  	s7 =	rddreg [dreg:$0x0]  }
0x2: {  	s0 =	rddreg [dreg:$0x1]  }
0x3: {  	s1 =	rddreg [dreg:$0x2];
	s3 =	simm.s32 $0x0  }
0x4: {  	[smem:$0x7FF] =	sst s3;
	s26 =	sadd.s32 $0x10, s7  }
0x5: {  	s30 =	sadd.s32 $0x20, s7;
	_ =	strace $0x80000047;
	[dreg:$0x5] =	wrdreg s26  }
0x6: {  	s31 =	sadd.s32 $0x30, s7;
	[dreg:$0x6] =	wrdreg s30  }
0x7: {  	s8 =	sadd.s32 $0x70, s7;
	[dreg:$0x7] =	wrdreg s31  }
0x8: {  	s9 =	sadd.s32 $0x100000, s7;
	[dreg:$0xa] =	wrdreg s8  }
0x9: {  	s2 =	srdreg.scid;
	s10 =	sadd.s32 $0x100010, s7;
	[dreg:$0xb] =	wrdreg s9  }
0xa: {  	s5 =	stileid.u32;
	s11 =	sadd.s32 $0x60, s7;
	[dreg:$0xc] =	wrdreg s10  }
0xb: {  	s28 =	simm.s32 $0x2;
	s12 =	sadd.s32 $0x100020, s7;
	[dreg:$0xd] =	wrdreg s11  }
0xc: {  	s29 =	simm.s32 $0x0;
	s13 =	sadd.s32 $0x100030, s7;
	[dreg:$0xe] =	wrdreg s12  }
0xd: {  	s2 =	sand.u32 $0x1, s2;
	s14 =	sadd.s32 $0x100040, s7;
	[dreg:$0xf] =	wrdreg s13  }
0xe: {  	s5 =	sshll.u32 s5, $0xA;
	s15 =	sadd.s32 $0x100050, s7;
	[dreg:$0x10] =	wrdreg s14  }
0xf: {  	s16 =	sadd.s32 $0x100060, s7;
	s17 =	sadd.s32 $0x100070, s7;
	[dreg:$0x11] =	wrdreg s15  }
0x10: {  	s4 =	ssub.s32 $0x2, s2;
	s2 =	sshll.u32 s2, $0x9;
	[dreg:$0x12] =	wrdreg s16  }
0x11: {  	[dreg:$0x13] =	wrdreg s17;
	s8 =	simm.s32 $0x200;
	s9 =	simm.s32 $0x400  }
0x12: {  	s10 =	simm.s32 $0x600;
	s6 =	sshrl.u32 s4, $0x1;
	s2 =	sor.u32 s2, s5  }
0x13: {  	s4 =	ssub.s32 s4, s6;
	s5 =	sshrl.u32 s2, $0x3;
	s6 =	sadd.s32 $0x50, s7  }
0x14: {  	s11 =	simm.s32 $0x800;
	s0 =	sadd.s32 s0, s5;
	[dreg:$0x9] =	wrdreg s6  }
0x15: {  	s18 =	sadd.s32 s1, s2;
	s5 =	sadd.s32 $0x40, s7;
	[dreg:$0x4] =	wrdreg s0  }
0x16: {  	s12 =	simm.s32 $0xA00;
	s19 =	sadd.s32 $0x10, s18;
	[dreg:$0x8] =	wrdreg s5  }
0x17: {  	s13 =	simm.s32 $0xC00;
	s20 =	sadd.s32 $0x20, s18;
	[dreg:$0x14] =	wrdreg s19  }
0x18: {  	s14 =	simm.s32 $0xE00;
	s21 =	sadd.s32 $0x30, s18;
	[dreg:$0x15] =	wrdreg s20  }
0x19: {  	s15 =	simm.s32 $0x1000;
	s22 =	sadd.s32 $0x40, s18;
	[dreg:$0x16] =	wrdreg s21  }
0x1a: {  	s16 =	simm.s32 $0x1200;
	s23 =	smax.u32 s4, $0x1;
	[dreg:$0x17] =	wrdreg s22  }
0x1b: {  	s17 =	simm.s32 $0x1400;
	s24 =	sadd.s32 $0x50, s18;
	[dreg:$0x18] =	wrdreg s23  }
0x1c: {  	s25 =	sadd.s32 $0x60, s18;
	s26 =	sadd.s32 $0x70, s18;
	[dreg:$0x19] =	wrdreg s24  }
0x1d: {  	s30 =	sadd.s32 $0x4000, s18;
	s31 =	sadd.s32 $0x4010, s18;
	[dreg:$0x1a] =	wrdreg s25  }
0x1e: {  	s2 =	sadd.s32 $0x4030, s18;
	s1 =	sadd.s32 $0x4040, s18;
	[dreg:$0x1b] =	wrdreg s26  }
0x1f: {  	s4 =	sadd.s32 $0x4050, s18;
	s6 =	sadd.s32 $0x4070, s18;
	[dreg:$0x1c] =	wrdreg s30  }
0x20: {  	s7 =	simm.s32 $0x3;
	[dreg:$0x1d] =	wrdreg s31;
	s0 =	sadd.s32 $0x4020, s18  }
0x21: {  	s5 =	sadd.s32 $0x4060, s18;
	s19 =	simm.s32 $0x1600;
	s20 =	simm.s32 $0x1800  }
0x22: {  	s21 =	simm.s32 $0x1A00;
	s22 =	simm.s32 $0x1C00;
	s23 =	simm.s32 $0x1E00  }
0x23: {  	s24 =	simm.s32 $0x2000;
	s25 =	simm.s32 $0x1;
	s26 =	simm.s32 $0x80  }
.LBB2_1:
0x24: {  	s30 =	rddreg [dreg:$0x4]  }
0x25: {  	[tilespmem:s3], [sflag:$0x3] =	stream.linear.gather [hbm4b:s30+s3], $0x200, $0x38;
	[tilespmem:$0x2200] =	vst v63  }
0x26: {  	_ =	swait.ge [sflag:s7], $0x200  }
0x27: {  	[sflag:s7] =	ssyncset.done $0x0  }
0x28: {  	s31 =	simm.s32 $0x40;
	s30 =	simm.s32 $0x0;
	[sflag:s7] =	ssyncadd.s32 $0xFFFFFE00  }
.LBB2_2:
0x29: {  	p0 =	sne.s32 s31, $0x7C0;
	v0 =	vld [tilespmem:s30+$0x0];
	_ =	sdelay $0x3  }
.Ltmp0:
0x2a: {  	(pc) =	sbr.rel @p0 .LBB2_2-.Ltmp0, $4  }
0x2b: {  	v1 =	vshll.u32 v0, $0x3  }
0x2c: {  	v0 =	vand.u32 $0x7F, v0;
	v1 =	vand.u32 $0xFFFFFC00, v1  }
0x2d: {  	v0 =	vor.u32 v0, v1  }
0x2e: {  	[tilespmem:s30+$0x0] =	vst v0;
	s30 =	sshra.s32 s31, $0x2;
	s31 =	sadd.s32 $0x40, s31  }
0x2f: {  	v0 =	vld [tilespmem:s30+$0x0];
	_ =	sdelay $0x4  }
0x30: {  	v1 =	vshll.u32 v0, $0x3  }
0x31: {  	v0 =	vand.u32 $0x7F, v0;
	v1 =	vand.u32 $0xFFFFFC00, v1  }
0x32: {  	v0 =	vor.u32 v0, v1  }
0x33: {  	s31 =	rddreg [dreg:$0x0];
	[tilespmem:s30+$0x0] =	vst v0  }
0x34: {  	[tilespmem:s8], [sflag:$0x1] =	stream.indirect.gather [hbm4b:s31+s8], $0x1, s3, s8, $0xb8;
	[tilespmem:$0x2200] =	vst v63  }
0x35: {  	s31 =	rddreg [dreg:$0x5]  }
0x36: {  	[tilespmem:s9], [sflag:$0x1] =	stream.indirect.gather [hbm4b:s31+s8], $0x1, s3, s8, $0xb8;
	[tilespmem:$0x2200] =	vst v63  }
0x37: {  	s31 =	rddreg [dreg:$0x6]  }
0x38: {  	[tilespmem:s10], [sflag:$0x1] =	stream.indirect.gather [hbm4b:s31+s8], $0x1, s3, s8, $0xb8;
	[tilespmem:$0x2200] =	vst v63  }
0x39: {  	s31 =	rddreg [dreg:$0x7]  }
0x3a: {  	[tilespmem:s11], [sflag:$0x1] =	stream.indirect.gather [hbm4b:s31+s8], $0x1, s3, s8, $0xb8;
	[tilespmem:$0x2200] =	vst v63  }
0x3b: {  	s31 =	rddreg [dreg:$0x8]  }
0x3c: {  	[tilespmem:s12], [sflag:$0x1] =	stream.indirect.gather [hbm4b:s31+s8], $0x1, s3, s8, $0xb8;
	[tilespmem:$0x2200] =	vst v63  }
0x3d: {  	s31 =	rddreg [dreg:$0x9]  }
0x3e: {  	[tilespmem:s13], [sflag:$0x1] =	stream.indirect.gather [hbm4b:s31+s8], $0x1, s3, s8, $0xb8;
	[tilespmem:$0x2200] =	vst v63  }
0x3f: {  	s31 =	rddreg [dreg:$0xd]  }
0x40: {  	[tilespmem:s14], [sflag:$0x1] =	stream.indirect.gather [hbm4b:s31+s8], $0x1, s3, s8, $0xb8;
	[tilespmem:$0x2200] =	vst v63  }
0x41: {  	s31 =	rddreg [dreg:$0xa]  }
0x42: {  	[tilespmem:s15], [sflag:$0x1] =	stream.indirect.gather [hbm4b:s31+s8], $0x1, s3, s8, $0xb8;
	[tilespmem:$0x2200] =	vst v63  }
0x43: {  	s31 =	rddreg [dreg:$0xb]  }
0x44: {  	[tilespmem:s16], [sflag:$0x2] =	stream.indirect.gather [hbm4b:s31+s8], $0x1, s3, s8, $0xb8;
	[tilespmem:$0x2200] =	vst v63  }
0x45: {  	s31 =	rddreg [dreg:$0xc]  }
0x46: {  	[tilespmem:s17], [sflag:$0x2] =	stream.indirect.gather [hbm4b:s31+s8], $0x1, s3, s8, $0xb8;
	[tilespmem:$0x2200] =	vst v63  }
0x47: {  	s31 =	rddreg [dreg:$0xe]  }
0x48: {  	[tilespmem:s19], [sflag:$0x2] =	stream.indirect.gather [hbm4b:s31+s8], $0x1, s3, s8, $0xb8;
	[tilespmem:$0x2200] =	vst v63  }
0x49: {  	s31 =	rddreg [dreg:$0xf]  }
0x4a: {  	[tilespmem:s20], [sflag:$0x2] =	stream.indirect.gather [hbm4b:s31+s8], $0x1, s3, s8, $0xb8;
	[tilespmem:$0x2200] =	vst v63  }
0x4b: {  	s31 =	rddreg [dreg:$0x10]  }
0x4c: {  	[tilespmem:s21], [sflag:$0x2] =	stream.indirect.gather [hbm4b:s31+s8], $0x1, s3, s8, $0xb8;
	[tilespmem:$0x2200] =	vst v63  }
0x4d: {  	s31 =	rddreg [dreg:$0x11]  }
0x4e: {  	[tilespmem:s22], [sflag:$0x2] =	stream.indirect.gather [hbm4b:s31+s8], $0x1, s3, s8, $0xb8;
	[tilespmem:$0x2200] =	vst v63  }
0x4f: {  	s31 =	rddreg [dreg:$0x12]  }
0x50: {  	[tilespmem:s23], [sflag:$0x2] =	stream.indirect.gather [hbm4b:s31+s8], $0x1, s3, s8, $0xb8;
	[tilespmem:$0x2200] =	vst v63  }
0x51: {  	s31 =	rddreg [dreg:$0x13]  }
0x52: {  	[tilespmem:s24], [sflag:$0x2] =	stream.indirect.gather [hbm4b:s31+s8], $0x1, s3, s8, $0xb8;
	[tilespmem:$0x2200] =	vst v63  }
0x53: {  	_ =	swait.ge [sflag:s25], $0x200  }
0x54: {  	[sflag:s25] =	ssyncset.done $0x0  }
0x55: {  	[sflag:s25] =	ssyncadd.s32 $0xFFFFFE00  }
0x56: {  	_ =	swait.ge [sflag:s25], $0x200  }
0x57: {  	[sflag:s25] =	ssyncset.done $0x0  }
0x58: {  	[sflag:s25] =	ssyncadd.s32 $0xFFFFFE00  }
0x59: {  	_ =	swait.ge [sflag:s25], $0x200  }
0x5a: {  	[sflag:s25] =	ssyncset.done $0x0  }
0x5b: {  	[sflag:s25] =	ssyncadd.s32 $0xFFFFFE00  }
0x5c: {  	_ =	swait.ge [sflag:s25], $0x200  }
0x5d: {  	[sflag:s25] =	ssyncset.done $0x0  }
0x5e: {  	[sflag:s25] =	ssyncadd.s32 $0xFFFFFE00  }
0x5f: {  	_ =	swait.ge [sflag:s25], $0x200  }
0x60: {  	[sflag:s25] =	ssyncset.done $0x0  }
0x61: {  	[sflag:s25] =	ssyncadd.s32 $0xFFFFFE00  }
0x62: {  	_ =	swait.ge [sflag:s25], $0x200  }
0x63: {  	[sflag:s25] =	ssyncset.done $0x0  }
0x64: {  	[sflag:s25] =	ssyncadd.s32 $0xFFFFFE00  }
0x65: {  	_ =	swait.ge [sflag:s25], $0x200  }
0x66: {  	[sflag:s25] =	ssyncset.done $0x0  }
0x67: {  	[sflag:s25] =	ssyncadd.s32 $0xFFFFFE00  }
0x68: {  	_ =	swait.ge [sflag:s25], $0x200  }
0x69: {  	[sflag:s25] =	ssyncset.done $0x0  }
0x6a: {  	[sflag:s25] =	ssyncadd.s32 $0xFFFFFE00  }
0x6b: {  	[hbm4b:s18+s26] =	stream.strided.scatter [tilespmem:s8], [sflag:$0x3], $0x200, s9, s26, $0x38;
	[tilespmem:$0x2200] =	vst v63  }
0x6c: {  	_ =	swait.ge [sflag:s7], $0x200  }
0x6d: {  	[sflag:s7] =	ssyncset.done $0x0  }
0x6e: {  	s31 =	rddreg [dreg:$0x14];
	[sflag:s7] =	ssyncadd.s32 $0xFFFFFE00  }
0x6f: {  	[hbm4b:s31+s26] =	stream.strided.scatter [tilespmem:s9], [sflag:$0x3], $0x200, s9, s26, $0x38;
	[tilespmem:$0x2200] =	vst v63  }
0x70: {  	_ =	swait.ge [sflag:s7], $0x200  }
0x71: {  	[sflag:s7] =	ssyncset.done $0x0  }
0x72: {  	s31 =	rddreg [dreg:$0x15];
	[sflag:s7] =	ssyncadd.s32 $0xFFFFFE00  }
0x73: {  	[hbm4b:s31+s26] =	stream.strided.scatter [tilespmem:s10], [sflag:$0x3], $0x200, s9, s26, $0x38;
	[tilespmem:$0x2200] =	vst v63  }
0x74: {  	_ =	swait.ge [sflag:s7], $0x200  }
0x75: {  	[sflag:s7] =	ssyncset.done $0x0  }
0x76: {  	s31 =	rddreg [dreg:$0x16];
	[sflag:s7] =	ssyncadd.s32 $0xFFFFFE00  }
0x77: {  	[hbm4b:s31+s26] =	stream.strided.scatter [tilespmem:s11], [sflag:$0x3], $0x200, s9, s26, $0x38;
	[tilespmem:$0x2200] =	vst v63  }
0x78: {  	_ =	swait.ge [sflag:s7], $0x200  }
0x79: {  	[sflag:s7] =	ssyncset.done $0x0  }
0x7a: {  	s31 =	rddreg [dreg:$0x17];
	[sflag:s7] =	ssyncadd.s32 $0xFFFFFE00  }
0x7b: {  	[hbm4b:s31+s26] =	stream.strided.scatter [tilespmem:s12], [sflag:$0x3], $0x200, s9, s26, $0x38;
	[tilespmem:$0x2200] =	vst v63  }
0x7c: {  	_ =	swait.ge [sflag:s7], $0x200  }
0x7d: {  	[sflag:s7] =	ssyncset.done $0x0  }
0x7e: {  	s31 =	rddreg [dreg:$0x19];
	[sflag:s7] =	ssyncadd.s32 $0xFFFFFE00  }
0x7f: {  	[hbm4b:s31+s26] =	stream.strided.scatter [tilespmem:s13], [sflag:$0x3], $0x200, s9, s26, $0x38;
	[tilespmem:$0x2200] =	vst v63  }
0x80: {  	_ =	swait.ge [sflag:s7], $0x200  }
0x81: {  	[sflag:s7] =	ssyncset.done $0x0  }
0x82: {  	s31 =	rddreg [dreg:$0x1a];
	[sflag:s7] =	ssyncadd.s32 $0xFFFFFE00  }
0x83: {  	[hbm4b:s31+s26] =	stream.strided.scatter [tilespmem:s14], [sflag:$0x3], $0x200, s9, s26, $0x38;
	[tilespmem:$0x2200] =	vst v63  }
0x84: {  	_ =	swait.ge [sflag:s7], $0x200  }
0x85: {  	[sflag:s7] =	ssyncset.done $0x0  }
0x86: {  	s31 =	rddreg [dreg:$0x1b];
	[sflag:s7] =	ssyncadd.s32 $0xFFFFFE00  }
0x87: {  	[hbm4b:s31+s26] =	stream.strided.scatter [tilespmem:s15], [sflag:$0x3], $0x200, s9, s26, $0x38;
	[tilespmem:$0x2200] =	vst v63  }
0x88: {  	_ =	swait.ge [sflag:s7], $0x200  }
0x89: {  	[sflag:s7] =	ssyncset.done $0x0  }
0x8a: {  	[sflag:s7] =	ssyncadd.s32 $0xFFFFFE00  }
0x8b: {  	_ =	swait.ge [sflag:s28], $0x200  }
0x8c: {  	[sflag:s28] =	ssyncset.done $0x0  }
0x8d: {  	[sflag:s28] =	ssyncadd.s32 $0xFFFFFE00  }
0x8e: {  	_ =	swait.ge [sflag:s28], $0x200  }
0x8f: {  	[sflag:s28] =	ssyncset.done $0x0  }
0x90: {  	[sflag:s28] =	ssyncadd.s32 $0xFFFFFE00  }
0x91: {  	_ =	swait.ge [sflag:s28], $0x200  }
0x92: {  	[sflag:s28] =	ssyncset.done $0x0  }
0x93: {  	[sflag:s28] =	ssyncadd.s32 $0xFFFFFE00  }
0x94: {  	_ =	swait.ge [sflag:s28], $0x200  }
0x95: {  	[sflag:s28] =	ssyncset.done $0x0  }
0x96: {  	[sflag:s28] =	ssyncadd.s32 $0xFFFFFE00  }
0x97: {  	_ =	swait.ge [sflag:s28], $0x200  }
0x98: {  	[sflag:s28] =	ssyncset.done $0x0  }
0x99: {  	[sflag:s28] =	ssyncadd.s32 $0xFFFFFE00  }
0x9a: {  	_ =	swait.ge [sflag:s28], $0x200  }
0x9b: {  	[sflag:s28] =	ssyncset.done $0x0  }
0x9c: {  	[sflag:s28] =	ssyncadd.s32 $0xFFFFFE00  }
0x9d: {  	_ =	swait.ge [sflag:s28], $0x200  }
0x9e: {  	[sflag:s28] =	ssyncset.done $0x0  }
0x9f: {  	[sflag:s28] =	ssyncadd.s32 $0xFFFFFE00  }
0xa0: {  	_ =	swait.ge [sflag:s28], $0x200  }
0xa1: {  	[sflag:s28] =	ssyncset.done $0x0  }
0xa2: {  	s31 =	rddreg [dreg:$0x1c];
	[sflag:s28] =	ssyncadd.s32 $0xFFFFFE00  }
0xa3: {  	[hbm4b:s31+s26] =	stream.strided.scatter [tilespmem:s16], [sflag:$0x3], $0x200, s9, s26, $0x38;
	[tilespmem:$0x2200] =	vst v63  }
0xa4: {  	_ =	swait.ge [sflag:s7], $0x200  }
0xa5: {  	[sflag:s7] =	ssyncset.done $0x0  }
0xa6: {  	s31 =	rddreg [dreg:$0x1d];
	[sflag:s7] =	ssyncadd.s32 $0xFFFFFE00  }
0xa7: {  	[hbm4b:s31+s26] =	stream.strided.scatter [tilespmem:s17], [sflag:$0x3], $0x200, s9, s26, $0x38;
	[tilespmem:$0x2200] =	vst v63  }
0xa8: {  	_ =	swait.ge [sflag:s7], $0x200  }
0xa9: {  	[sflag:s7] =	ssyncset.done $0x0  }
0xaa: {  	[sflag:s7] =	ssyncadd.s32 $0xFFFFFE00  }
0xab: {  	[hbm4b:s0+s26] =	stream.strided.scatter [tilespmem:s19], [sflag:$0x3], $0x200, s9, s26, $0x38;
	[tilespmem:$0x2200] =	vst v63  }
0xac: {  	_ =	swait.ge [sflag:s7], $0x200  }
0xad: {  	[sflag:s7] =	ssyncset.done $0x0  }
0xae: {  	[sflag:s7] =	ssyncadd.s32 $0xFFFFFE00  }
0xaf: {  	[hbm4b:s2+s26] =	stream.strided.scatter [tilespmem:s20], [sflag:$0x3], $0x200, s9, s26, $0x38;
	[tilespmem:$0x2200] =	vst v63  }
0xb0: {  	_ =	swait.ge [sflag:s7], $0x200  }
0xb1: {  	[sflag:s7] =	ssyncset.done $0x0  }
0xb2: {  	[sflag:s7] =	ssyncadd.s32 $0xFFFFFE00  }
0xb3: {  	[hbm4b:s1+s26] =	stream.strided.scatter [tilespmem:s21], [sflag:$0x3], $0x200, s9, s26, $0x38;
	[tilespmem:$0x2200] =	vst v63  }
0xb4: {  	_ =	swait.ge [sflag:s7], $0x200  }
0xb5: {  	[sflag:s7] =	ssyncset.done $0x0  }
0xb6: {  	[sflag:s7] =	ssyncadd.s32 $0xFFFFFE00  }
0xb7: {  	[hbm4b:s4+s26] =	stream.strided.scatter [tilespmem:s22], [sflag:$0x3], $0x200, s9, s26, $0x38;
	[tilespmem:$0x2200] =	vst v63  }
0xb8: {  	_ =	swait.ge [sflag:s7], $0x200  }
0xb9: {  	[sflag:s7] =	ssyncset.done $0x0  }
0xba: {  	[sflag:s7] =	ssyncadd.s32 $0xFFFFFE00  }
0xbb: {  	[hbm4b:s5+s26] =	stream.strided.scatter [tilespmem:s23], [sflag:$0x3], $0x200, s9, s26, $0x38;
	[tilespmem:$0x2200] =	vst v63  }
0xbc: {  	_ =	swait.ge [sflag:s7], $0x200  }
0xbd: {  	[sflag:s7] =	ssyncset.done $0x0  }
0xbe: {  	[sflag:s7] =	ssyncadd.s32 $0xFFFFFE00  }
0xbf: {  	[hbm4b:s6+s26] =	stream.strided.scatter [tilespmem:s24], [sflag:$0x3], $0x200, s9, s26, $0x38;
	[tilespmem:$0x2200] =	vst v63  }
0xc0: {  	_ =	swait.ge [sflag:s7], $0x200  }
0xc1: {  	s29 =	sadd.s32 $0x1, s29;
	s31 =	rddreg [dreg:$0x18]  }
0xc2: {  	p0 =	sne.s32 s29, s31  }
.Ltmp1:
0xc3: {  	_ = 	snop;
	(pc) =	sbr.rel @p0 .LBB2_1-.Ltmp1, $3  }
0xc4: {  	_ =	sdelay $0x1  }
0xc5: {  	[sflag:s7] =	ssyncset.done $0x0  }
0xc6: {  	[sflag:s7] =	ssyncadd.s32 $0xFFFFFE00  }
0xc7: {  	_ =	sfence.sel $0x180000  }
0xc8: {  	[bflag:$0x0] =	sbarrier.arrive $0xFFFF  }
0xc9: {  	_ =	strace $0x90000047  }
0xca: {  	s0 =	stileid.u32;
	[bflag:$0x2] =	sbarrier.arrive $0xFFFF  }
0xcb: {  	p0 =	sne.s32 s0, $0x0;
	s0 =	rddreg [dreg:$0x3]  }
0xcc: {  	s0 =	sadd.s32 @!p0 $0x100000, s0  }
0xcd: {  	[sflag:s0] =	ssyncadd.tile.s32 @!p0 $0x1;
	_ =	shalt  }
.Lfunc_end2:
_tile_overlayer_lowered:
.L_overlay_start_2:
0xce: {  	(tag) =	ssettag $0x2  }
0xcf: {  	s0 =	rddreg [dreg:$0x0];
	s2 =	stileid.u32  }
0xd0: {  	s1 =	rddreg [dreg:$0x1];
	p0 =	sne.s32 s2, $0x0  }
0xd1: {  	s3 =	rddreg [dreg:$0x2];
	[bflag:$0x3] =	sbarrier.arrive $0xFFFF;
	s2 =	simm.s32 @!p0 $0x1C03  }
0xd2: {  	[timem:s3], [sflag:s2] =	dma.local @!p0 [hbm:s0], s1  }
0xd3: {  	s0 =	simm.s32 @!p0 $0x3  }
0xd4: {  	_ =	swait.ge @!p0 [sflag:s0], s1  }
0xd5: {  	s1 =	ssub.s32 @!p0 $0x0, s1;
	[sflag:s0] =	ssyncset.done @!p0 $0x0  }
0xd6: {  	[sflag:s0] =	ssyncadd.s32 @!p0 s1  }
0xd7: {  	[bflag:$0x3] =	sbarrier.arrive $0xFFFF  }
0xd8: {  	_ =	shalt  }

</sc_bundles>
